<compile_context>
chip_gen: v7x
topology: tpu7x:2x2x1
jax: 0.10.2.dev20260603
libtpu: 0.0.44.dev20260713+nightly
codegen_flags: <defaults>
</compile_context>

<pallas_src>
import functools

import jax
import jax.numpy as jnp
from jax import lax
from jax.experimental import pallas as pl
from jax.experimental.pallas import tpu as pltpu
from jax.experimental.pallas import tpu_sc as plsc

D = 32
H = 200
BPC = 8


@functools.cache
def _make_emb(batch):
    info = plsc.get_sparse_core_info()
    NC, NS = info.num_cores, info.num_subcores
    NW = NC * NS
    assert batch % (NW * BPC) == 0, (batch, NW, BPC)
    b_per_w = batch // NW
    n_chunks = b_per_w // BPC
    assert n_chunks % 2 == 0 and n_chunks >= 4

    mesh = plsc.VectorSubcoreMesh(core_axis_name="c", subcore_axis_name="s")

    @functools.partial(
        pl.kernel,
        mesh=mesh,
        out_type=jax.ShapeDtypeStruct((batch, H, D), jnp.float32),
        scratch_types=[
            pltpu.VMEM((BPC, H), jnp.int32),
            pltpu.VMEM((BPC, H), jnp.int32),
            pltpu.VMEM((BPC, H, D), jnp.float32),
            pltpu.VMEM((BPC, H, D), jnp.float32),
            pltpu.SemaphoreType.DMA,
            pltpu.SemaphoreType.DMA,
            pltpu.SemaphoreType.DMA,
        ],
        compiler_params=pltpu.CompilerParams(use_tc_tiling_on_sc=False),
    )
    def emb(idx_hbm, table_hbm, out_hbm, idx0, idx1, rows0, rows1,
            gsem0, gsem1, osem):
        wid = lax.axis_index("s") * NC + lax.axis_index("c")
        b_base = wid * b_per_w

        idx_b = (idx0, idx1)
        rows_b = (rows0, rows1)
        gsem_b = (gsem0, gsem1)

        def load_idx(c, b):
            pltpu.sync_copy(
                idx_hbm.at[pl.ds(b_base + c * BPC, BPC)], idx_b[b])

        def fire_gathers(b):
            for j in range(BPC):
                pltpu.async_copy(
                    table_hbm.at[idx_b[b].at[j]],
                    rows_b[b].at[j],
                    gsem_b[b],
                )

        def drain_gathers(b):
            pltpu.make_async_copy(
                out_hbm.at[pl.ds(0, BPC)], rows_b[b], gsem_b[b]).wait()

        def out_slice(c):
            return out_hbm.at[pl.ds(b_base + c * BPC, BPC)]

        def fire_wb(c, b):
            pltpu.async_copy(rows_b[b], out_slice(c), osem)

        def drain_wb(c, b):
            pltpu.make_async_copy(rows_b[b], out_slice(c), osem).wait()

        load_idx(0, 0)
        fire_gathers(0)
        load_idx(1, 1)

        def body(i, carry):
            for x in (0, 1):
                c = i * 2 + x
                y = 1 - x

                @pl.when(c > 0)
                def _():
                    drain_wb(c - 1, y)

                @pl.when(c + 1 < n_chunks)
                def _():
                    fire_gathers(y)

                drain_gathers(x)
                fire_wb(c, x)

                @pl.when(c + 2 < n_chunks)
                def _():
                    load_idx(c + 2, x)
            return carry

        lax.fori_loop(0, n_chunks // 2, body, 0)
        drain_wb(n_chunks - 1, (n_chunks - 1) % 2)

    return emb


B_SC = 13824


def kernel(residue_type, weight):
    b, h = residue_type.shape
    idx = residue_type.astype(jnp.int32)
    out_sc = _make_emb(B_SC)(idx[:B_SC], weight)
    out_tc = jnp.take(weight, idx[B_SC:], axis=0)
    return jnp.concatenate([out_sc, out_tc], axis=0)

# --- scband reference (transcript-rebuilt; emitter-appended) ---
"""Pipeline reference for scband-embedding-module-86835648790640 (READ-ONLY COPY).

The authoritative reference and input builder live on the scoring server;
editing this copy changes nothing except your own understanding.
"""

import jax, jax.numpy as jnp
import numpy as np

NUM_EMBEDDINGS = 1000000
EMBEDDING_DIM = 32
BATCH = 16384
HIST = 200

def setup_inputs(seed: int = 0) -> dict:
    key = jax.random.key(seed)
    k_idx, k_w = jax.random.split(key)
    residue_type = jax.random.randint(k_idx, (BATCH, HIST), 0, NUM_EMBEDDINGS, dtype=jnp.int64 if jax.config.jax_enable_x64 else jnp.int32)
    weight = jax.random.normal(k_w, (NUM_EMBEDDINGS, EMBEDDING_DIM), dtype=jnp.float32)
    return {"residue_type": residue_type, "weight": weight}

def reference(residue_type, weight):
    # nn.Embedding forward: row gather from the embedding table
    return jnp.take(weight, residue_type, axis=0)

if __name__ == "__main__":
    import jax
    _d = setup_inputs()
    print(jax.jit(kernel)(*tuple(_d.values())))

</pallas_src>

<mosaic_0001>
#map = affine_map<(d0, d1) -> (0, 0)>
#map1 = affine_map<(d0, d1) -> (0, 0, 0)>
module attributes {stable_mosaic.version = 14 : i64} {
  func.func @emb(%arg0: i32, %arg1: i32, %arg2: memref<13824x200xi32, #tpu.memory_space<hbm>>, %arg3: memref<1000000x32xf32, #tpu.memory_space<hbm>>, %arg4: memref<13824x200x32xf32, #tpu.memory_space<hbm>>, %arg5: memref<8x200xi32, #tpu.memory_space<vmem>>, %arg6: memref<8x200xi32, #tpu.memory_space<vmem>>, %arg7: memref<8x200x32xf32, #tpu.memory_space<vmem>>, %arg8: memref<8x200x32xf32, #tpu.memory_space<vmem>>, %arg9: memref<!tpu.dma_semaphore, #tpu.memory_space<semaphore_mem>>, %arg10: memref<!tpu.dma_semaphore, #tpu.memory_space<semaphore_mem>>, %arg11: memref<!tpu.dma_semaphore, #tpu.memory_space<semaphore_mem>>) attributes {dimension_semantics = [#tpu.dimension_semantics<core_parallel>, #tpu.dimension_semantics<subcore_parallel>], iteration_bounds = array<i64: 2, 16>, scalar_prefetch = 0 : i64, scratch_operands = 7 : i64, tpu.core_type = #tpu.core_type<sc_vector_subcore>, window_params = [{transform_indices = #map}, {transform_indices = #map}, {transform_indices = #map1}]} {
    %mul3A = arith.constant 2 : i32
    %mul3A_0 = arith.muli %arg1, %mul3A : i32
    %add3A = arith.addi %mul3A_0, %arg0 : i32
    %mul3A_1 = arith.constant 432 : i32
    %mul3A_2 = arith.muli %add3A, %mul3A_1 : i32
    %add3A_3 = arith.constant 0 : i32
    %add3A_4 = arith.addi %mul3A_2, %add3A_3 : i32
    "tpu.region"() ({
      %run_scoped3A = tpu.sem_alloc : memref<!tpu.dma_semaphore, #tpu.memory_space<semaphore_mem>>
      %dma_start3A_114 = arith.constant 0 : i32
      %dma_start3A_115 = tpu.memref_slice %arg2[%add3A_4, %dma_start3A_114] : memref<13824x200xi32, #tpu.memory_space<hbm>> -> memref<8x200xi32, #tpu.memory_space<hbm>>
      %dma_start3A_116 = arith.constant 0 : i32
      %dma_start3A_117 = tpu.memref_slice %arg2[%add3A_4, %dma_start3A_116] : memref<13824x200xi32, #tpu.memory_space<hbm>> -> memref<8x200xi32, #tpu.memory_space<hbm>>
      tpu.enqueue_dma source(%dma_start3A_117 : memref<8x200xi32, #tpu.memory_space<hbm>>) target(%arg5 : memref<8x200xi32, #tpu.memory_space<vmem>>) target_semaphore(%run_scoped3A : memref<!tpu.dma_semaphore, #tpu.memory_space<semaphore_mem>>)
      %dma_wait3A_118 = arith.constant 0 : i32
      %dma_wait3A_119 = tpu.memref_slice %arg2[%add3A_4, %dma_wait3A_118] : memref<13824x200xi32, #tpu.memory_space<hbm>> -> memref<8x200xi32, #tpu.memory_space<hbm>>
      %dma_wait3A_120 = arith.constant 0 : i32
      %dma_wait3A_121 = tpu.memref_slice %arg2[%add3A_4, %dma_wait3A_120] : memref<13824x200xi32, #tpu.memory_space<hbm>> -> memref<8x200xi32, #tpu.memory_space<hbm>>
      tpu.wait_dma2 semaphore(%run_scoped3A : memref<!tpu.dma_semaphore, #tpu.memory_space<semaphore_mem>>) src(%dma_wait3A_121 : memref<8x200xi32, #tpu.memory_space<hbm>>) dst(%arg5 : memref<8x200xi32, #tpu.memory_space<vmem>>)
      tpu.yield
    }) : () -> ()
    %dma_start3A = arith.constant 0 : i32
    %dma_start3A_5 = arith.constant 0 : i32
    %dma_start3A_6 = arith.constant 0 : i32
    %dma_start3A_7 = arith.constant 0 : i32
    %dma_start3A_8 = tpu.memref_slice %arg7[%dma_start3A_5, %dma_start3A_6, %dma_start3A_7] : memref<8x200x32xf32, #tpu.memory_space<vmem>> -> memref<1x200x32xf32, #tpu.memory_space<vmem>>
    %dma_start3A_9 = tpu.memref_squeeze %dma_start3A_8 : memref<1x200x32xf32, #tpu.memory_space<vmem>> -> memref<200x32xf32, #tpu.memory_space<vmem>>
    %dma_start3A_10 = arith.constant 0 : i32
    %dma_start3A_11 = tpu.memref_slice %arg5[%dma_start3A, %dma_start3A_10] : memref<8x200xi32, #tpu.memory_space<vmem>> -> memref<1x200xi32, #tpu.memory_space<vmem>>
    %dma_start3A_12 = tpu.memref_squeeze %dma_start3A_11 : memref<1x200xi32, #tpu.memory_space<vmem>> -> memref<200xi32, #tpu.memory_space<vmem>>
    %dma_start3A_13 = arith.constant 0 : i32
    %dma_start3A_14 = arith.constant 0 : i32
    %dma_start3A_15 = tpu.memref_slice %arg3[%dma_start3A_13, %dma_start3A_14] : memref<1000000x32xf32, #tpu.memory_space<hbm>> -> memref<1000000x32xf32, #tpu.memory_space<hbm>>
    tpu.enqueue_indirect_dma source(%dma_start3A_15 : memref<1000000x32xf32, #tpu.memory_space<hbm>>) target(%dma_start3A_9 : memref<200x32xf32, #tpu.memory_space<vmem>>) offsets(%dma_start3A_12 : memref<200xi32, #tpu.memory_space<vmem>>) semaphore(%arg9 : memref<!tpu.dma_semaphore, #tpu.memory_space<semaphore_mem>>)
    %dma_start3A_16 = arith.constant 1 : i32
    %dma_start3A_17 = arith.constant 1 : i32
    %dma_start3A_18 = arith.constant 0 : i32
    %dma_start3A_19 = arith.constant 0 : i32
    %dma_start3A_20 = tpu.memref_slice %arg7[%dma_start3A_17, %dma_start3A_18, %dma_start3A_19] : memref<8x200x32xf32, #tpu.memory_space<vmem>> -> memref<1x200x32xf32, #tpu.memory_space<vmem>>
    %dma_start3A_21 = tpu.memref_squeeze %dma_start3A_20 : memref<1x200x32xf32, #tpu.memory_space<vmem>> -> memref<200x32xf32, #tpu.memory_space<vmem>>
    %dma_start3A_22 = arith.constant 0 : i32
    %dma_start3A_23 = tpu.memref_slice %arg5[%dma_start3A_16, %dma_start3A_22] : memref<8x200xi32, #tpu.memory_space<vmem>> -> memref<1x200xi32, #tpu.memory_space<vmem>>
    %dma_start3A_24 = tpu.memref_squeeze %dma_start3A_23 : memref<1x200xi32, #tpu.memory_space<vmem>> -> memref<200xi32, #tpu.memory_space<vmem>>
    %dma_start3A_25 = arith.constant 0 : i32
    %dma_start3A_26 = arith.constant 0 : i32
    %dma_start3A_27 = tpu.memref_slice %arg3[%dma_start3A_25, %dma_start3A_26] : memref<1000000x32xf32, #tpu.memory_space<hbm>> -> memref<1000000x32xf32, #tpu.memory_space<hbm>>
    tpu.enqueue_indirect_dma source(%dma_start3A_27 : memref<1000000x32xf32, #tpu.memory_space<hbm>>) target(%dma_start3A_21 : memref<200x32xf32, #tpu.memory_space<vmem>>) offsets(%dma_start3A_24 : memref<200xi32, #tpu.memory_space<vmem>>) semaphore(%arg9 : memref<!tpu.dma_semaphore, #tpu.memory_space<semaphore_mem>>)
    %dma_start3A_28 = arith.constant 2 : i32
    %dma_start3A_29 = arith.constant 2 : i32
    %dma_start3A_30 = arith.constant 0 : i32
    %dma_start3A_31 = arith.constant 0 : i32
    %dma_start3A_32 = tpu.memref_slice %arg7[%dma_start3A_29, %dma_start3A_30, %dma_start3A_31] : memref<8x200x32xf32, #tpu.memory_space<vmem>> -> memref<1x200x32xf32, #tpu.memory_space<vmem>>
    %dma_start3A_33 = tpu.memref_squeeze %dma_start3A_32 : memref<1x200x32xf32, #tpu.memory_space<vmem>> -> memref<200x32xf32, #tpu.memory_space<vmem>>
    %dma_start3A_34 = arith.constant 0 : i32
    %dma_start3A_35 = tpu.memref_slice %arg5[%dma_start3A_28, %dma_start3A_34] : memref<8x200xi32, #tpu.memory_space<vmem>> -> memref<1x200xi32, #tpu.memory_space<vmem>>
    %dma_start3A_36 = tpu.memref_squeeze %dma_start3A_35 : memref<1x200xi32, #tpu.memory_space<vmem>> -> memref<200xi32, #tpu.memory_space<vmem>>
    %dma_start3A_37 = arith.constant 0 : i32
    %dma_start3A_38 = arith.constant 0 : i32
    %dma_start3A_39 = tpu.memref_slice %arg3[%dma_start3A_37, %dma_start3A_38] : memref<1000000x32xf32, #tpu.memory_space<hbm>> -> memref<1000000x32xf32, #tpu.memory_space<hbm>>
    tpu.enqueue_indirect_dma source(%dma_start3A_39 : memref<1000000x32xf32, #tpu.memory_space<hbm>>) target(%dma_start3A_33 : memref<200x32xf32, #tpu.memory_space<vmem>>) offsets(%dma_start3A_36 : memref<200xi32, #tpu.memory_space<vmem>>) semaphore(%arg9 : memref<!tpu.dma_semaphore, #tpu.memory_space<semaphore_mem>>)
    %dma_start3A_40 = arith.constant 3 : i32
    %dma_start3A_41 = arith.constant 3 : i32
    %dma_start3A_42 = arith.constant 0 : i32
    %dma_start3A_43 = arith.constant 0 : i32
    %dma_start3A_44 = tpu.memref_slice %arg7[%dma_start3A_41, %dma_start3A_42, %dma_start3A_43] : memref<8x200x32xf32, #tpu.memory_space<vmem>> -> memref<1x200x32xf32, #tpu.memory_space<vmem>>
    %dma_start3A_45 = tpu.memref_squeeze %dma_start3A_44 : memref<1x200x32xf32, #tpu.memory_space<vmem>> -> memref<200x32xf32, #tpu.memory_space<vmem>>
    %dma_start3A_46 = arith.constant 0 : i32
    %dma_start3A_47 = tpu.memref_slice %arg5[%dma_start3A_40, %dma_start3A_46] : memref<8x200xi32, #tpu.memory_space<vmem>> -> memref<1x200xi32, #tpu.memory_space<vmem>>
    %dma_start3A_48 = tpu.memref_squeeze %dma_start3A_47 : memref<1x200xi32, #tpu.memory_space<vmem>> -> memref<200xi32, #tpu.memory_space<vmem>>
    %dma_start3A_49 = arith.constant 0 : i32
    %dma_start3A_50 = arith.constant 0 : i32
    %dma_start3A_51 = tpu.memref_slice %arg3[%dma_start3A_49, %dma_start3A_50] : memref<1000000x32xf32, #tpu.memory_space<hbm>> -> memref<1000000x32xf32, #tpu.memory_space<hbm>>
    tpu.enqueue_indirect_dma source(%dma_start3A_51 : memref<1000000x32xf32, #tpu.memory_space<hbm>>) target(%dma_start3A_45 : memref<200x32xf32, #tpu.memory_space<vmem>>) offsets(%dma_start3A_48 : memref<200xi32, #tpu.memory_space<vmem>>) semaphore(%arg9 : memref<!tpu.dma_semaphore, #tpu.memory_space<semaphore_mem>>)
    %dma_start3A_52 = arith.constant 4 : i32
    %dma_start3A_53 = arith.constant 4 : i32
    %dma_start3A_54 = arith.constant 0 : i32
    %dma_start3A_55 = arith.constant 0 : i32
    %dma_start3A_56 = tpu.memref_slice %arg7[%dma_start3A_53, %dma_start3A_54, %dma_start3A_55] : memref<8x200x32xf32, #tpu.memory_space<vmem>> -> memref<1x200x32xf32, #tpu.memory_space<vmem>>
    %dma_start3A_57 = tpu.memref_squeeze %dma_start3A_56 : memref<1x200x32xf32, #tpu.memory_space<vmem>> -> memref<200x32xf32, #tpu.memory_space<vmem>>
    %dma_start3A_58 = arith.constant 0 : i32
    %dma_start3A_59 = tpu.memref_slice %arg5[%dma_start3A_52, %dma_start3A_58] : memref<8x200xi32, #tpu.memory_space<vmem>> -> memref<1x200xi32, #tpu.memory_space<vmem>>
    %dma_start3A_60 = tpu.memref_squeeze %dma_start3A_59 : memref<1x200xi32, #tpu.memory_space<vmem>> -> memref<200xi32, #tpu.memory_space<vmem>>
    %dma_start3A_61 = arith.constant 0 : i32
    %dma_start3A_62 = arith.constant 0 : i32
    %dma_start3A_63 = tpu.memref_slice %arg3[%dma_start3A_61, %dma_start3A_62] : memref<1000000x32xf32, #tpu.memory_space<hbm>> -> memref<1000000x32xf32, #tpu.memory_space<hbm>>
    tpu.enqueue_indirect_dma source(%dma_start3A_63 : memref<1000000x32xf32, #tpu.memory_space<hbm>>) target(%dma_start3A_57 : memref<200x32xf32, #tpu.memory_space<vmem>>) offsets(%dma_start3A_60 : memref<200xi32, #tpu.memory_space<vmem>>) semaphore(%arg9 : memref<!tpu.dma_semaphore, #tpu.memory_space<semaphore_mem>>)
    %dma_start3A_64 = arith.constant 5 : i32
    %dma_start3A_65 = arith.constant 5 : i32
    %dma_start3A_66 = arith.constant 0 : i32
    %dma_start3A_67 = arith.constant 0 : i32
    %dma_start3A_68 = tpu.memref_slice %arg7[%dma_start3A_65, %dma_start3A_66, %dma_start3A_67] : memref<8x200x32xf32, #tpu.memory_space<vmem>> -> memref<1x200x32xf32, #tpu.memory_space<vmem>>
    %dma_start3A_69 = tpu.memref_squeeze %dma_start3A_68 : memref<1x200x32xf32, #tpu.memory_space<vmem>> -> memref<200x32xf32, #tpu.memory_space<vmem>>
    %dma_start3A_70 = arith.constant 0 : i32
    %dma_start3A_71 = tpu.memref_slice %arg5[%dma_start3A_64, %dma_start3A_70] : memref<8x200xi32, #tpu.memory_space<vmem>> -> memref<1x200xi32, #tpu.memory_space<vmem>>
    %dma_start3A_72 = tpu.memref_squeeze %dma_start3A_71 : memref<1x200xi32, #tpu.memory_space<vmem>> -> memref<200xi32, #tpu.memory_space<vmem>>
    %dma_start3A_73 = arith.constant 0 : i32
    %dma_start3A_74 = arith.constant 0 : i32
    %dma_start3A_75 = tpu.memref_slice %arg3[%dma_start3A_73, %dma_start3A_74] : memref<1000000x32xf32, #tpu.memory_space<hbm>> -> memref<1000000x32xf32, #tpu.memory_space<hbm>>
    tpu.enqueue_indirect_dma source(%dma_start3A_75 : memref<1000000x32xf32, #tpu.memory_space<hbm>>) target(%dma_start3A_69 : memref<200x32xf32, #tpu.memory_space<vmem>>) offsets(%dma_start3A_72 : memref<200xi32, #tpu.memory_space<vmem>>) semaphore(%arg9 : memref<!tpu.dma_semaphore, #tpu.memory_space<semaphore_mem>>)
    %dma_start3A_76 = arith.constant 6 : i32
    %dma_start3A_77 = arith.constant 6 : i32
    %dma_start3A_78 = arith.constant 0 : i32
    %dma_start3A_79 = arith.constant 0 : i32
    %dma_start3A_80 = tpu.memref_slice %arg7[%dma_start3A_77, %dma_start3A_78, %dma_start3A_79] : memref<8x200x32xf32, #tpu.memory_space<vmem>> -> memref<1x200x32xf32, #tpu.memory_space<vmem>>
    %dma_start3A_81 = tpu.memref_squeeze %dma_start3A_80 : memref<1x200x32xf32, #tpu.memory_space<vmem>> -> memref<200x32xf32, #tpu.memory_space<vmem>>
    %dma_start3A_82 = arith.constant 0 : i32
    %dma_start3A_83 = tpu.memref_slice %arg5[%dma_start3A_76, %dma_start3A_82] : memref<8x200xi32, #tpu.memory_space<vmem>> -> memref<1x200xi32, #tpu.memory_space<vmem>>
    %dma_start3A_84 = tpu.memref_squeeze %dma_start3A_83 : memref<1x200xi32, #tpu.memory_space<vmem>> -> memref<200xi32, #tpu.memory_space<vmem>>
    %dma_start3A_85 = arith.constant 0 : i32
    %dma_start3A_86 = arith.constant 0 : i32
    %dma_start3A_87 = tpu.memref_slice %arg3[%dma_start3A_85, %dma_start3A_86] : memref<1000000x32xf32, #tpu.memory_space<hbm>> -> memref<1000000x32xf32, #tpu.memory_space<hbm>>
    tpu.enqueue_indirect_dma source(%dma_start3A_87 : memref<1000000x32xf32, #tpu.memory_space<hbm>>) target(%dma_start3A_81 : memref<200x32xf32, #tpu.memory_space<vmem>>) offsets(%dma_start3A_84 : memref<200xi32, #tpu.memory_space<vmem>>) semaphore(%arg9 : memref<!tpu.dma_semaphore, #tpu.memory_space<semaphore_mem>>)
    %dma_start3A_88 = arith.constant 7 : i32
    %dma_start3A_89 = arith.constant 7 : i32
    %dma_start3A_90 = arith.constant 0 : i32
    %dma_start3A_91 = arith.constant 0 : i32
    %dma_start3A_92 = tpu.memref_slice %arg7[%dma_start3A_89, %dma_start3A_90, %dma_start3A_91] : memref<8x200x32xf32, #tpu.memory_space<vmem>> -> memref<1x200x32xf32, #tpu.memory_space<vmem>>
    %dma_start3A_93 = tpu.memref_squeeze %dma_start3A_92 : memref<1x200x32xf32, #tpu.memory_space<vmem>> -> memref<200x32xf32, #tpu.memory_space<vmem>>
    %dma_start3A_94 = arith.constant 0 : i32
    %dma_start3A_95 = tpu.memref_slice %arg5[%dma_start3A_88, %dma_start3A_94] : memref<8x200xi32, #tpu.memory_space<vmem>> -> memref<1x200xi32, #tpu.memory_space<vmem>>
    %dma_start3A_96 = tpu.memref_squeeze %dma_start3A_95 : memref<1x200xi32, #tpu.memory_space<vmem>> -> memref<200xi32, #tpu.memory_space<vmem>>
    %dma_start3A_97 = arith.constant 0 : i32
    %dma_start3A_98 = arith.constant 0 : i32
    %dma_start3A_99 = tpu.memref_slice %arg3[%dma_start3A_97, %dma_start3A_98] : memref<1000000x32xf32, #tpu.memory_space<hbm>> -> memref<1000000x32xf32, #tpu.memory_space<hbm>>
    tpu.enqueue_indirect_dma source(%dma_start3A_99 : memref<1000000x32xf32, #tpu.memory_space<hbm>>) target(%dma_start3A_93 : memref<200x32xf32, #tpu.memory_space<vmem>>) offsets(%dma_start3A_96 : memref<200xi32, #tpu.memory_space<vmem>>) semaphore(%arg9 : memref<!tpu.dma_semaphore, #tpu.memory_space<semaphore_mem>>)
    %add3A_100 = arith.constant 8 : i32
    %add3A_101 = arith.addi %mul3A_2, %add3A_100 : i32
    "tpu.region"() ({
      %run_scoped3A = tpu.sem_alloc : memref<!tpu.dma_semaphore, #tpu.memory_space<semaphore_mem>>
      %dma_start3A_114 = arith.constant 0 : i32
      %dma_start3A_115 = tpu.memref_slice %arg2[%add3A_101, %dma_start3A_114] : memref<13824x200xi32, #tpu.memory_space<hbm>> -> memref<8x200xi32, #tpu.memory_space<hbm>>
      %dma_start3A_116 = arith.constant 0 : i32
      %dma_start3A_117 = tpu.memref_slice %arg2[%add3A_101, %dma_start3A_116] : memref<13824x200xi32, #tpu.memory_space<hbm>> -> memref<8x200xi32, #tpu.memory_space<hbm>>
      tpu.enqueue_dma source(%dma_start3A_117 : memref<8x200xi32, #tpu.memory_space<hbm>>) target(%arg6 : memref<8x200xi32, #tpu.memory_space<vmem>>) target_semaphore(%run_scoped3A : memref<!tpu.dma_semaphore, #tpu.memory_space<semaphore_mem>>)
      %dma_wait3A_118 = arith.constant 0 : i32
      %dma_wait3A_119 = tpu.memref_slice %arg2[%add3A_101, %dma_wait3A_118] : memref<13824x200xi32, #tpu.memory_space<hbm>> -> memref<8x200xi32, #tpu.memory_space<hbm>>
      %dma_wait3A_120 = arith.constant 0 : i32
      %dma_wait3A_121 = tpu.memref_slice %arg2[%add3A_101, %dma_wait3A_120] : memref<13824x200xi32, #tpu.memory_space<hbm>> -> memref<8x200xi32, #tpu.memory_space<hbm>>
      tpu.wait_dma2 semaphore(%run_scoped3A : memref<!tpu.dma_semaphore, #tpu.memory_space<semaphore_mem>>) src(%dma_wait3A_121 : memref<8x200xi32, #tpu.memory_space<hbm>>) dst(%arg6 : memref<8x200xi32, #tpu.memory_space<vmem>>)
      tpu.yield
    }) : () -> ()
    %scan3A = arith.constant 0 : i32
    %scan3A_102 = arith.constant 0 : i32
    %scan3A_103 = arith.constant 27 : i32
    %scan3A_104 = arith.addi %scan3A_102, %scan3A_103 : i32
    %scan3A_105 = arith.constant 1 : i32
    scf.for %scan3A_114 = %scan3A_102 to %scan3A_104 step %scan3A_105  : i32 {
      %mul3A_115 = arith.constant 2 : i32
      %mul3A_116 = arith.muli %scan3A_114, %mul3A_115 : i32
      %add3A_117 = arith.constant 0 : i32
      %add3A_118 = arith.addi %mul3A_116, %add3A_117 : i32
      %gt3A = arith.constant 0 : i32
      %gt3A_119 = arith.cmpi sgt, %add3A_118, %gt3A : i32
      %convert_element_type3A = arith.extui %gt3A_119 : i1 to i32
      %cond3A = arith.constant 0 : i32
      %cond3A_120 = arith.cmpi ne, %convert_element_type3A, %cond3A : i32
      scf.if %cond3A_120 {
        %sub3A = arith.constant 1 : i32
        %sub3A_191 = arith.subi %add3A_118, %sub3A : i32
        %mul3A_192 = arith.constant 8 : i32
        %mul3A_193 = arith.muli %sub3A_191, %mul3A_192 : i32
        %add3A_194 = arith.addi %mul3A_2, %mul3A_193 : i32
        %dma_wait3A_195 = arith.constant 0 : i32
        %dma_wait3A_196 = arith.constant 0 : i32
        %dma_wait3A_197 = tpu.memref_slice %arg4[%add3A_194, %dma_wait3A_195, %dma_wait3A_196] : memref<13824x200x32xf32, #tpu.memory_space<hbm>> -> memref<8x200x32xf32, #tpu.memory_space<hbm>>
        %dma_wait3A_198 = arith.constant 0 : i32
        %dma_wait3A_199 = arith.constant 0 : i32
        %dma_wait3A_200 = tpu.memref_slice %arg4[%add3A_194, %dma_wait3A_198, %dma_wait3A_199] : memref<13824x200x32xf32, #tpu.memory_space<hbm>> -> memref<8x200x32xf32, #tpu.memory_space<hbm>>
        tpu.wait_dma2 semaphore(%arg11 : memref<!tpu.dma_semaphore, #tpu.memory_space<semaphore_mem>>) src(%arg8 : memref<8x200x32xf32, #tpu.memory_space<vmem>>) dst(%dma_wait3A_200 : memref<8x200x32xf32, #tpu.memory_space<hbm>>)
      } else {
      }
      %add3A_121 = arith.constant 1 : i32
      %add3A_122 = arith.addi %add3A_118, %add3A_121 : i32
      %lt3A = arith.constant 54 : i32
      %lt3A_123 = arith.cmpi slt, %add3A_122, %lt3A : i32
      %convert_element_type3A_124 = arith.extui %lt3A_123 : i1 to i32
      %cond3A_125 = arith.constant 0 : i32
      %cond3A_126 = arith.cmpi ne, %convert_element_type3A_124, %cond3A_125 : i32
      scf.if %cond3A_126 {
        %dma_start3A_191 = arith.constant 0 : i32
        %dma_start3A_192 = arith.constant 0 : i32
        %dma_start3A_193 = arith.constant 0 : i32
        %dma_start3A_194 = arith.constant 0 : i32
        %dma_start3A_195 = tpu.memref_slice %arg8[%dma_start3A_192, %dma_start3A_193, %dma_start3A_194] : memref<8x200x32xf32, #tpu.memory_space<vmem>> -> memref<1x200x32xf32, #tpu.memory_space<vmem>>
        %dma_start3A_196 = tpu.memref_squeeze %dma_start3A_195 : memref<1x200x32xf32, #tpu.memory_space<vmem>> -> memref<200x32xf32, #tpu.memory_space<vmem>>
        %dma_start3A_197 = arith.constant 0 : i32
        %dma_start3A_198 = tpu.memref_slice %arg6[%dma_start3A_191, %dma_start3A_197] : memref<8x200xi32, #tpu.memory_space<vmem>> -> memref<1x200xi32, #tpu.memory_space<vmem>>
        %dma_start3A_199 = tpu.memref_squeeze %dma_start3A_198 : memref<1x200xi32, #tpu.memory_space<vmem>> -> memref<200xi32, #tpu.memory_space<vmem>>
        %dma_start3A_200 = arith.constant 0 : i32
        %dma_start3A_201 = arith.constant 0 : i32
        %dma_start3A_202 = tpu.memref_slice %arg3[%dma_start3A_200, %dma_start3A_201] : memref<1000000x32xf32, #tpu.memory_space<hbm>> -> memref<1000000x32xf32, #tpu.memory_space<hbm>>
        tpu.enqueue_indirect_dma source(%dma_start3A_202 : memref<1000000x32xf32, #tpu.memory_space<hbm>>) target(%dma_start3A_196 : memref<200x32xf32, #tpu.memory_space<vmem>>) offsets(%dma_start3A_199 : memref<200xi32, #tpu.memory_space<vmem>>) semaphore(%arg10 : memref<!tpu.dma_semaphore, #tpu.memory_space<semaphore_mem>>)
        %dma_start3A_203 = arith.constant 1 : i32
        %dma_start3A_204 = arith.constant 1 : i32
        %dma_start3A_205 = arith.constant 0 : i32
        %dma_start3A_206 = arith.constant 0 : i32
        %dma_start3A_207 = tpu.memref_slice %arg8[%dma_start3A_204, %dma_start3A_205, %dma_start3A_206] : memref<8x200x32xf32, #tpu.memory_space<vmem>> -> memref<1x200x32xf32, #tpu.memory_space<vmem>>
        %dma_start3A_208 = tpu.memref_squeeze %dma_start3A_207 : memref<1x200x32xf32, #tpu.memory_space<vmem>> -> memref<200x32xf32, #tpu.memory_space<vmem>>
        %dma_start3A_209 = arith.constant 0 : i32
        %dma_start3A_210 = tpu.memref_slice %arg6[%dma_start3A_203, %dma_start3A_209] : memref<8x200xi32, #tpu.memory_space<vmem>> -> memref<1x200xi32, #tpu.memory_space<vmem>>
        %dma_start3A_211 = tpu.memref_squeeze %dma_start3A_210 : memref<1x200xi32, #tpu.memory_space<vmem>> -> memref<200xi32, #tpu.memory_space<vmem>>
        %dma_start3A_212 = arith.constant 0 : i32
        %dma_start3A_213 = arith.constant 0 : i32
        %dma_start3A_214 = tpu.memref_slice %arg3[%dma_start3A_212, %dma_start3A_213] : memref<1000000x32xf32, #tpu.memory_space<hbm>> -> memref<1000000x32xf32, #tpu.memory_space<hbm>>
        tpu.enqueue_indirect_dma source(%dma_start3A_214 : memref<1000000x32xf32, #tpu.memory_space<hbm>>) target(%dma_start3A_208 : memref<200x32xf32, #tpu.memory_space<vmem>>) offsets(%dma_start3A_211 : memref<200xi32, #tpu.memory_space<vmem>>) semaphore(%arg10 : memref<!tpu.dma_semaphore, #tpu.memory_space<semaphore_mem>>)
        %dma_start3A_215 = arith.constant 2 : i32
        %dma_start3A_216 = arith.constant 2 : i32
        %dma_start3A_217 = arith.constant 0 : i32
        %dma_start3A_218 = arith.constant 0 : i32
        %dma_start3A_219 = tpu.memref_slice %arg8[%dma_start3A_216, %dma_start3A_217, %dma_start3A_218] : memref<8x200x32xf32, #tpu.memory_space<vmem>> -> memref<1x200x32xf32, #tpu.memory_space<vmem>>
        %dma_start3A_220 = tpu.memref_squeeze %dma_start3A_219 : memref<1x200x32xf32, #tpu.memory_space<vmem>> -> memref<200x32xf32, #tpu.memory_space<vmem>>
        %dma_start3A_221 = arith.constant 0 : i32
        %dma_start3A_222 = tpu.memref_slice %arg6[%dma_start3A_215, %dma_start3A_221] : memref<8x200xi32, #tpu.memory_space<vmem>> -> memref<1x200xi32, #tpu.memory_space<vmem>>
        %dma_start3A_223 = tpu.memref_squeeze %dma_start3A_222 : memref<1x200xi32, #tpu.memory_space<vmem>> -> memref<200xi32, #tpu.memory_space<vmem>>
        %dma_start3A_224 = arith.constant 0 : i32
        %dma_start3A_225 = arith.constant 0 : i32
        %dma_start3A_226 = tpu.memref_slice %arg3[%dma_start3A_224, %dma_start3A_225] : memref<1000000x32xf32, #tpu.memory_space<hbm>> -> memref<1000000x32xf32, #tpu.memory_space<hbm>>
        tpu.enqueue_indirect_dma source(%dma_start3A_226 : memref<1000000x32xf32, #tpu.memory_space<hbm>>) target(%dma_start3A_220 : memref<200x32xf32, #tpu.memory_space<vmem>>) offsets(%dma_start3A_223 : memref<200xi32, #tpu.memory_space<vmem>>) semaphore(%arg10 : memref<!tpu.dma_semaphore, #tpu.memory_space<semaphore_mem>>)
        %dma_start3A_227 = arith.constant 3 : i32
        %dma_start3A_228 = arith.constant 3 : i32
        %dma_start3A_229 = arith.constant 0 : i32
        %dma_start3A_230 = arith.constant 0 : i32
        %dma_start3A_231 = tpu.memref_slice %arg8[%dma_start3A_228, %dma_start3A_229, %dma_start3A_230] : memref<8x200x32xf32, #tpu.memory_space<vmem>> -> memref<1x200x32xf32, #tpu.memory_space<vmem>>
        %dma_start3A_232 = tpu.memref_squeeze %dma_start3A_231 : memref<1x200x32xf32, #tpu.memory_space<vmem>> -> memref<200x32xf32, #tpu.memory_space<vmem>>
        %dma_start3A_233 = arith.constant 0 : i32
        %dma_start3A_234 = tpu.memref_slice %arg6[%dma_start3A_227, %dma_start3A_233] : memref<8x200xi32, #tpu.memory_space<vmem>> -> memref<1x200xi32, #tpu.memory_space<vmem>>
        %dma_start3A_235 = tpu.memref_squeeze %dma_start3A_234 : memref<1x200xi32, #tpu.memory_space<vmem>> -> memref<200xi32, #tpu.memory_space<vmem>>
        %dma_start3A_236 = arith.constant 0 : i32
        %dma_start3A_237 = arith.constant 0 : i32
        %dma_start3A_238 = tpu.memref_slice %arg3[%dma_start3A_236, %dma_start3A_237] : memref<1000000x32xf32, #tpu.memory_space<hbm>> -> memref<1000000x32xf32, #tpu.memory_space<hbm>>
        tpu.enqueue_indirect_dma source(%dma_start3A_238 : memref<1000000x32xf32, #tpu.memory_space<hbm>>) target(%dma_start3A_232 : memref<200x32xf32, #tpu.memory_space<vmem>>) offsets(%dma_start3A_235 : memref<200xi32, #tpu.memory_space<vmem>>) semaphore(%arg10 : memref<!tpu.dma_semaphore, #tpu.memory_space<semaphore_mem>>)
        %dma_start3A_239 = arith.constant 4 : i32
        %dma_start3A_240 = arith.constant 4 : i32
        %dma_start3A_241 = arith.constant 0 : i32
        %dma_start3A_242 = arith.constant 0 : i32
        %dma_start3A_243 = tpu.memref_slice %arg8[%dma_start3A_240, %dma_start3A_241, %dma_start3A_242] : memref<8x200x32xf32, #tpu.memory_space<vmem>> -> memref<1x200x32xf32, #tpu.memory_space<vmem>>
        %dma_start3A_244 = tpu.memref_squeeze %dma_start3A_243 : memref<1x200x32xf32, #tpu.memory_space<vmem>> -> memref<200x32xf32, #tpu.memory_space<vmem>>
        %dma_start3A_245 = arith.constant 0 : i32
        %dma_start3A_246 = tpu.memref_slice %arg6[%dma_start3A_239, %dma_start3A_245] : memref<8x200xi32, #tpu.memory_space<vmem>> -> memref<1x200xi32, #tpu.memory_space<vmem>>
        %dma_start3A_247 = tpu.memref_squeeze %dma_start3A_246 : memref<1x200xi32, #tpu.memory_space<vmem>> -> memref<200xi32, #tpu.memory_space<vmem>>
        %dma_start3A_248 = arith.constant 0 : i32
        %dma_start3A_249 = arith.constant 0 : i32
        %dma_start3A_250 = tpu.memref_slice %arg3[%dma_start3A_248, %dma_start3A_249] : memref<1000000x32xf32, #tpu.memory_space<hbm>> -> memref<1000000x32xf32, #tpu.memory_space<hbm>>
        tpu.enqueue_indirect_dma source(%dma_start3A_250 : memref<1000000x32xf32, #tpu.memory_space<hbm>>) target(%dma_start3A_244 : memref<200x32xf32, #tpu.memory_space<vmem>>) offsets(%dma_start3A_247 : memref<200xi32, #tpu.memory_space<vmem>>) semaphore(%arg10 : memref<!tpu.dma_semaphore, #tpu.memory_space<semaphore_mem>>)
        %dma_start3A_251 = arith.constant 5 : i32
        %dma_start3A_252 = arith.constant 5 : i32
        %dma_start3A_253 = arith.constant 0 : i32
        %dma_start3A_254 = arith.constant 0 : i32
        %dma_start3A_255 = tpu.memref_slice %arg8[%dma_start3A_252, %dma_start3A_253, %dma_start3A_254] : memref<8x200x32xf32, #tpu.memory_space<vmem>> -> memref<1x200x32xf32, #tpu.memory_space<vmem>>
        %dma_start3A_256 = tpu.memref_squeeze %dma_start3A_255 : memref<1x200x32xf32, #tpu.memory_space<vmem>> -> memref<200x32xf32, #tpu.memory_space<vmem>>
        %dma_start3A_257 = arith.constant 0 : i32
        %dma_start3A_258 = tpu.memref_slice %arg6[%dma_start3A_251, %dma_start3A_257] : memref<8x200xi32, #tpu.memory_space<vmem>> -> memref<1x200xi32, #tpu.memory_space<vmem>>
        %dma_start3A_259 = tpu.memref_squeeze %dma_start3A_258 : memref<1x200xi32, #tpu.memory_space<vmem>> -> memref<200xi32, #tpu.memory_space<vmem>>
        %dma_start3A_260 = arith.constant 0 : i32
        %dma_start3A_261 = arith.constant 0 : i32
        %dma_start3A_262 = tpu.memref_slice %arg3[%dma_start3A_260, %dma_start3A_261] : memref<1000000x32xf32, #tpu.memory_space<hbm>> -> memref<1000000x32xf32, #tpu.memory_space<hbm>>
        tpu.enqueue_indirect_dma source(%dma_start3A_262 : memref<1000000x32xf32, #tpu.memory_space<hbm>>) target(%dma_start3A_256 : memref<200x32xf32, #tpu.memory_space<vmem>>) offsets(%dma_start3A_259 : memref<200xi32, #tpu.memory_space<vmem>>) semaphore(%arg10 : memref<!tpu.dma_semaphore, #tpu.memory_space<semaphore_mem>>)
        %dma_start3A_263 = arith.constant 6 : i32
        %dma_start3A_264 = arith.constant 6 : i32
        %dma_start3A_265 = arith.constant 0 : i32
        %dma_start3A_266 = arith.constant 0 : i32
        %dma_start3A_267 = tpu.memref_slice %arg8[%dma_start3A_264, %dma_start3A_265, %dma_start3A_266] : memref<8x200x32xf32, #tpu.memory_space<vmem>> -> memref<1x200x32xf32, #tpu.memory_space<vmem>>
        %dma_start3A_268 = tpu.memref_squeeze %dma_start3A_267 : memref<1x200x32xf32, #tpu.memory_space<vmem>> -> memref<200x32xf32, #tpu.memory_space<vmem>>
        %dma_start3A_269 = arith.constant 0 : i32
        %dma_start3A_270 = tpu.memref_slice %arg6[%dma_start3A_263, %dma_start3A_269] : memref<8x200xi32, #tpu.memory_space<vmem>> -> memref<1x200xi32, #tpu.memory_space<vmem>>
        %dma_start3A_271 = tpu.memref_squeeze %dma_start3A_270 : memref<1x200xi32, #tpu.memory_space<vmem>> -> memref<200xi32, #tpu.memory_space<vmem>>
        %dma_start3A_272 = arith.constant 0 : i32
        %dma_start3A_273 = arith.constant 0 : i32
        %dma_start3A_274 = tpu.memref_slice %arg3[%dma_start3A_272, %dma_start3A_273] : memref<1000000x32xf32, #tpu.memory_space<hbm>> -> memref<1000000x32xf32, #tpu.memory_space<hbm>>
        tpu.enqueue_indirect_dma source(%dma_start3A_274 : memref<1000000x32xf32, #tpu.memory_space<hbm>>) target(%dma_start3A_268 : memref<200x32xf32, #tpu.memory_space<vmem>>) offsets(%dma_start3A_271 : memref<200xi32, #tpu.memory_space<vmem>>) semaphore(%arg10 : memref<!tpu.dma_semaphore, #tpu.memory_space<semaphore_mem>>)
        %dma_start3A_275 = arith.constant 7 : i32
        %dma_start3A_276 = arith.constant 7 : i32
        %dma_start3A_277 = arith.constant 0 : i32
        %dma_start3A_278 = arith.constant 0 : i32
        %dma_start3A_279 = tpu.memref_slice %arg8[%dma_start3A_276, %dma_start3A_277, %dma_start3A_278] : memref<8x200x32xf32, #tpu.memory_space<vmem>> -> memref<1x200x32xf32, #tpu.memory_space<vmem>>
        %dma_start3A_280 = tpu.memref_squeeze %dma_start3A_279 : memref<1x200x32xf32, #tpu.memory_space<vmem>> -> memref<200x32xf32, #tpu.memory_space<vmem>>
        %dma_start3A_281 = arith.constant 0 : i32
        %dma_start3A_282 = tpu.memref_slice %arg6[%dma_start3A_275, %dma_start3A_281] : memref<8x200xi32, #tpu.memory_space<vmem>> -> memref<1x200xi32, #tpu.memory_space<vmem>>
        %dma_start3A_283 = tpu.memref_squeeze %dma_start3A_282 : memref<1x200xi32, #tpu.memory_space<vmem>> -> memref<200xi32, #tpu.memory_space<vmem>>
        %dma_start3A_284 = arith.constant 0 : i32
        %dma_start3A_285 = arith.constant 0 : i32
        %dma_start3A_286 = tpu.memref_slice %arg3[%dma_start3A_284, %dma_start3A_285] : memref<1000000x32xf32, #tpu.memory_space<hbm>> -> memref<1000000x32xf32, #tpu.memory_space<hbm>>
        tpu.enqueue_indirect_dma source(%dma_start3A_286 : memref<1000000x32xf32, #tpu.memory_space<hbm>>) target(%dma_start3A_280 : memref<200x32xf32, #tpu.memory_space<vmem>>) offsets(%dma_start3A_283 : memref<200xi32, #tpu.memory_space<vmem>>) semaphore(%arg10 : memref<!tpu.dma_semaphore, #tpu.memory_space<semaphore_mem>>)
      } else {
      }
      %dma_wait3A_127 = arith.constant 0 : i32
      %dma_wait3A_128 = arith.constant 0 : i32
      %dma_wait3A_129 = arith.constant 0 : i32
      %dma_wait3A_130 = tpu.memref_slice %arg4[%dma_wait3A_127, %dma_wait3A_128, %dma_wait3A_129] : memref<13824x200x32xf32, #tpu.memory_space<hbm>> -> memref<8x200x32xf32, #tpu.memory_space<hbm>>
      %dma_wait3A_131 = arith.constant 0 : i32
      %dma_wait3A_132 = arith.constant 0 : i32
      %dma_wait3A_133 = arith.constant 0 : i32
      %dma_wait3A_134 = tpu.memref_slice %arg4[%dma_wait3A_131, %dma_wait3A_132, %dma_wait3A_133] : memref<13824x200x32xf32, #tpu.memory_space<hbm>> -> memref<8x200x32xf32, #tpu.memory_space<hbm>>
      tpu.wait_dma2 semaphore(%arg9 : memref<!tpu.dma_semaphore, #tpu.memory_space<semaphore_mem>>) src(%dma_wait3A_134 : memref<8x200x32xf32, #tpu.memory_space<hbm>>) dst(%arg7 : memref<8x200x32xf32, #tpu.memory_space<vmem>>)
      %mul3A_135 = arith.constant 8 : i32
      %mul3A_136 = arith.muli %add3A_118, %mul3A_135 : i32
      %add3A_137 = arith.addi %mul3A_2, %mul3A_136 : i32
      %dma_start3A_138 = arith.constant 0 : i32
      %dma_start3A_139 = arith.constant 0 : i32
      %dma_start3A_140 = tpu.memref_slice %arg4[%add3A_137, %dma_start3A_138, %dma_start3A_139] : memref<13824x200x32xf32, #tpu.memory_space<hbm>> -> memref<8x200x32xf32, #tpu.memory_space<hbm>>
      %dma_start3A_141 = arith.constant 0 : i32
      %dma_start3A_142 = arith.constant 0 : i32
      %dma_start3A_143 = tpu.memref_slice %arg4[%add3A_137, %dma_start3A_141, %dma_start3A_142] : memref<13824x200x32xf32, #tpu.memory_space<hbm>> -> memref<8x200x32xf32, #tpu.memory_space<hbm>>
      tpu.enqueue_dma source(%arg7 : memref<8x200x32xf32, #tpu.memory_space<vmem>>) target(%dma_start3A_143 : memref<8x200x32xf32, #tpu.memory_space<hbm>>) target_semaphore(%arg11 : memref<!tpu.dma_semaphore, #tpu.memory_space<semaphore_mem>>)
      %add3A_144 = arith.constant 2 : i32
      %add3A_145 = arith.addi %add3A_118, %add3A_144 : i32
      %lt3A_146 = arith.constant 54 : i32
      %lt3A_147 = arith.cmpi slt, %add3A_145, %lt3A_146 : i32
      %convert_element_type3A_148 = arith.extui %lt3A_147 : i1 to i32
      %cond3A_149 = arith.constant 0 : i32
      %cond3A_150 = arith.cmpi ne, %convert_element_type3A_148, %cond3A_149 : i32
      scf.if %cond3A_150 {
        %add3A_191 = arith.constant 2 : i32
        %add3A_192 = arith.addi %add3A_118, %add3A_191 : i32
        %mul3A_193 = arith.constant 8 : i32
        %mul3A_194 = arith.muli %add3A_192, %mul3A_193 : i32
        %add3A_195 = arith.addi %mul3A_2, %mul3A_194 : i32
        "tpu.region"() ({
          %run_scoped3A = tpu.sem_alloc : memref<!tpu.dma_semaphore, #tpu.memory_space<semaphore_mem>>
          %dma_start3A_196 = arith.constant 0 : i32
          %dma_start3A_197 = tpu.memref_slice %arg2[%add3A_195, %dma_start3A_196] : memref<13824x200xi32, #tpu.memory_space<hbm>> -> memref<8x200xi32, #tpu.memory_space<hbm>>
          %dma_start3A_198 = arith.constant 0 : i32
          %dma_start3A_199 = tpu.memref_slice %arg2[%add3A_195, %dma_start3A_198] : memref<13824x200xi32, #tpu.memory_space<hbm>> -> memref<8x200xi32, #tpu.memory_space<hbm>>
          tpu.enqueue_dma source(%dma_start3A_199 : memref<8x200xi32, #tpu.memory_space<hbm>>) target(%arg5 : memref<8x200xi32, #tpu.memory_space<vmem>>) target_semaphore(%run_scoped3A : memref<!tpu.dma_semaphore, #tpu.memory_space<semaphore_mem>>)
          %dma_wait3A_200 = arith.constant 0 : i32
          %dma_wait3A_201 = tpu.memref_slice %arg2[%add3A_195, %dma_wait3A_200] : memref<13824x200xi32, #tpu.memory_space<hbm>> -> memref<8x200xi32, #tpu.memory_space<hbm>>
          %dma_wait3A_202 = arith.constant 0 : i32
          %dma_wait3A_203 = tpu.memref_slice %arg2[%add3A_195, %dma_wait3A_202] : memref<13824x200xi32, #tpu.memory_space<hbm>> -> memref<8x200xi32, #tpu.memory_space<hbm>>
          tpu.wait_dma2 semaphore(%run_scoped3A : memref<!tpu.dma_semaphore, #tpu.memory_space<semaphore_mem>>) src(%dma_wait3A_203 : memref<8x200xi32, #tpu.memory_space<hbm>>) dst(%arg5 : memref<8x200xi32, #tpu.memory_space<vmem>>)
          tpu.yield
        }) : () -> ()
      } else {
      }
      %mul3A_151 = arith.constant 2 : i32
      %mul3A_152 = arith.muli %scan3A_114, %mul3A_151 : i32
      %add3A_153 = arith.constant 1 : i32
      %add3A_154 = arith.addi %mul3A_152, %add3A_153 : i32
      %gt3A_155 = arith.constant 0 : i32
      %gt3A_156 = arith.cmpi sgt, %add3A_154, %gt3A_155 : i32
      %convert_element_type3A_157 = arith.extui %gt3A_156 : i1 to i32
      %cond3A_158 = arith.constant 0 : i32
      %cond3A_159 = arith.cmpi ne, %convert_element_type3A_157, %cond3A_158 : i32
      scf.if %cond3A_159 {
        %sub3A = arith.constant 1 : i32
        %sub3A_191 = arith.subi %add3A_154, %sub3A : i32
        %mul3A_192 = arith.constant 8 : i32
        %mul3A_193 = arith.muli %sub3A_191, %mul3A_192 : i32
        %add3A_194 = arith.addi %mul3A_2, %mul3A_193 : i32
        %dma_wait3A_195 = arith.constant 0 : i32
        %dma_wait3A_196 = arith.constant 0 : i32
        %dma_wait3A_197 = tpu.memref_slice %arg4[%add3A_194, %dma_wait3A_195, %dma_wait3A_196] : memref<13824x200x32xf32, #tpu.memory_space<hbm>> -> memref<8x200x32xf32, #tpu.memory_space<hbm>>
        %dma_wait3A_198 = arith.constant 0 : i32
        %dma_wait3A_199 = arith.constant 0 : i32
        %dma_wait3A_200 = tpu.memref_slice %arg4[%add3A_194, %dma_wait3A_198, %dma_wait3A_199] : memref<13824x200x32xf32, #tpu.memory_space<hbm>> -> memref<8x200x32xf32, #tpu.memory_space<hbm>>
        tpu.wait_dma2 semaphore(%arg11 : memref<!tpu.dma_semaphore, #tpu.memory_space<semaphore_mem>>) src(%arg7 : memref<8x200x32xf32, #tpu.memory_space<vmem>>) dst(%dma_wait3A_200 : memref<8x200x32xf32, #tpu.memory_space<hbm>>)
      } else {
      }
      %add3A_160 = arith.constant 1 : i32
      %add3A_161 = arith.addi %add3A_154, %add3A_160 : i32
      %lt3A_162 = arith.constant 54 : i32
      %lt3A_163 = arith.cmpi slt, %add3A_161, %lt3A_162 : i32
      %convert_element_type3A_164 = arith.extui %lt3A_163 : i1 to i32
      %cond3A_165 = arith.constant 0 : i32
      %cond3A_166 = arith.cmpi ne, %convert_element_type3A_164, %cond3A_165 : i32
      scf.if %cond3A_166 {
        %dma_start3A_191 = arith.constant 0 : i32
        %dma_start3A_192 = arith.constant 0 : i32
        %dma_start3A_193 = arith.constant 0 : i32
        %dma_start3A_194 = arith.constant 0 : i32
        %dma_start3A_195 = tpu.memref_slice %arg7[%dma_start3A_192, %dma_start3A_193, %dma_start3A_194] : memref<8x200x32xf32, #tpu.memory_space<vmem>> -> memref<1x200x32xf32, #tpu.memory_space<vmem>>
        %dma_start3A_196 = tpu.memref_squeeze %dma_start3A_195 : memref<1x200x32xf32, #tpu.memory_space<vmem>> -> memref<200x32xf32, #tpu.memory_space<vmem>>
        %dma_start3A_197 = arith.constant 0 : i32
        %dma_start3A_198 = tpu.memref_slice %arg5[%dma_start3A_191, %dma_start3A_197] : memref<8x200xi32, #tpu.memory_space<vmem>> -> memref<1x200xi32, #tpu.memory_space<vmem>>
        %dma_start3A_199 = tpu.memref_squeeze %dma_start3A_198 : memref<1x200xi32, #tpu.memory_space<vmem>> -> memref<200xi32, #tpu.memory_space<vmem>>
        %dma_start3A_200 = arith.constant 0 : i32
        %dma_start3A_201 = arith.constant 0 : i32
        %dma_start3A_202 = tpu.memref_slice %arg3[%dma_start3A_200, %dma_start3A_201] : memref<1000000x32xf32, #tpu.memory_space<hbm>> -> memref<1000000x32xf32, #tpu.memory_space<hbm>>
        tpu.enqueue_indirect_dma source(%dma_start3A_202 : memref<1000000x32xf32, #tpu.memory_space<hbm>>) target(%dma_start3A_196 : memref<200x32xf32, #tpu.memory_space<vmem>>) offsets(%dma_start3A_199 : memref<200xi32, #tpu.memory_space<vmem>>) semaphore(%arg9 : memref<!tpu.dma_semaphore, #tpu.memory_space<semaphore_mem>>)
        %dma_start3A_203 = arith.constant 1 : i32
        %dma_start3A_204 = arith.constant 1 : i32
        %dma_start3A_205 = arith.constant 0 : i32
        %dma_start3A_206 = arith.constant 0 : i32
        %dma_start3A_207 = tpu.memref_slice %arg7[%dma_start3A_204, %dma_start3A_205, %dma_start3A_206] : memref<8x200x32xf32, #tpu.memory_space<vmem>> -> memref<1x200x32xf32, #tpu.memory_space<vmem>>
        %dma_start3A_208 = tpu.memref_squeeze %dma_start3A_207 : memref<1x200x32xf32, #tpu.memory_space<vmem>> -> memref<200x32xf32, #tpu.memory_space<vmem>>
        %dma_start3A_209 = arith.constant 0 : i32
        %dma_start3A_210 = tpu.memref_slice %arg5[%dma_start3A_203, %dma_start3A_209] : memref<8x200xi32, #tpu.memory_space<vmem>> -> memref<1x200xi32, #tpu.memory_space<vmem>>
        %dma_start3A_211 = tpu.memref_squeeze %dma_start3A_210 : memref<1x200xi32, #tpu.memory_space<vmem>> -> memref<200xi32, #tpu.memory_space<vmem>>
        %dma_start3A_212 = arith.constant 0 : i32
        %dma_start3A_213 = arith.constant 0 : i32
        %dma_start3A_214 = tpu.memref_slice %arg3[%dma_start3A_212, %dma_start3A_213] : memref<1000000x32xf32, #tpu.memory_space<hbm>> -> memref<1000000x32xf32, #tpu.memory_space<hbm>>
        tpu.enqueue_indirect_dma source(%dma_start3A_214 : memref<1000000x32xf32, #tpu.memory_space<hbm>>) target(%dma_start3A_208 : memref<200x32xf32, #tpu.memory_space<vmem>>) offsets(%dma_start3A_211 : memref<200xi32, #tpu.memory_space<vmem>>) semaphore(%arg9 : memref<!tpu.dma_semaphore, #tpu.memory_space<semaphore_mem>>)
        %dma_start3A_215 = arith.constant 2 : i32
        %dma_start3A_216 = arith.constant 2 : i32
        %dma_start3A_217 = arith.constant 0 : i32
        %dma_start3A_218 = arith.constant 0 : i32
        %dma_start3A_219 = tpu.memref_slice %arg7[%dma_start3A_216, %dma_start3A_217, %dma_start3A_218] : memref<8x200x32xf32, #tpu.memory_space<vmem>> -> memref<1x200x32xf32, #tpu.memory_space<vmem>>
        %dma_start3A_220 = tpu.memref_squeeze %dma_start3A_219 : memref<1x200x32xf32, #tpu.memory_space<vmem>> -> memref<200x32xf32, #tpu.memory_space<vmem>>
        %dma_start3A_221 = arith.constant 0 : i32
        %dma_start3A_222 = tpu.memref_slice %arg5[%dma_start3A_215, %dma_start3A_221] : memref<8x200xi32, #tpu.memory_space<vmem>> -> memref<1x200xi32, #tpu.memory_space<vmem>>
        %dma_start3A_223 = tpu.memref_squeeze %dma_start3A_222 : memref<1x200xi32, #tpu.memory_space<vmem>> -> memref<200xi32, #tpu.memory_space<vmem>>
        %dma_start3A_224 = arith.constant 0 : i32
        %dma_start3A_225 = arith.constant 0 : i32
        %dma_start3A_226 = tpu.memref_slice %arg3[%dma_start3A_224, %dma_start3A_225] : memref<1000000x32xf32, #tpu.memory_space<hbm>> -> memref<1000000x32xf32, #tpu.memory_space<hbm>>
        tpu.enqueue_indirect_dma source(%dma_start3A_226 : memref<1000000x32xf32, #tpu.memory_space<hbm>>) target(%dma_start3A_220 : memref<200x32xf32, #tpu.memory_space<vmem>>) offsets(%dma_start3A_223 : memref<200xi32, #tpu.memory_space<vmem>>) semaphore(%arg9 : memref<!tpu.dma_semaphore, #tpu.memory_space<semaphore_mem>>)
        %dma_start3A_227 = arith.constant 3 : i32
        %dma_start3A_228 = arith.constant 3 : i32
        %dma_start3A_229 = arith.constant 0 : i32
        %dma_start3A_230 = arith.constant 0 : i32
        %dma_start3A_231 = tpu.memref_slice %arg7[%dma_start3A_228, %dma_start3A_229, %dma_start3A_230] : memref<8x200x32xf32, #tpu.memory_space<vmem>> -> memref<1x200x32xf32, #tpu.memory_space<vmem>>
        %dma_start3A_232 = tpu.memref_squeeze %dma_start3A_231 : memref<1x200x32xf32, #tpu.memory_space<vmem>> -> memref<200x32xf32, #tpu.memory_space<vmem>>
        %dma_start3A_233 = arith.constant 0 : i32
        %dma_start3A_234 = tpu.memref_slice %arg5[%dma_start3A_227, %dma_start3A_233] : memref<8x200xi32, #tpu.memory_space<vmem>> -> memref<1x200xi32, #tpu.memory_space<vmem>>
        %dma_start3A_235 = tpu.memref_squeeze %dma_start3A_234 : memref<1x200xi32, #tpu.memory_space<vmem>> -> memref<200xi32, #tpu.memory_space<vmem>>
        %dma_start3A_236 = arith.constant 0 : i32
        %dma_start3A_237 = arith.constant 0 : i32
        %dma_start3A_238 = tpu.memref_slice %arg3[%dma_start3A_236, %dma_start3A_237] : memref<1000000x32xf32, #tpu.memory_space<hbm>> -> memref<1000000x32xf32, #tpu.memory_space<hbm>>
        tpu.enqueue_indirect_dma source(%dma_start3A_238 : memref<1000000x32xf32, #tpu.memory_space<hbm>>) target(%dma_start3A_232 : memref<200x32xf32, #tpu.memory_space<vmem>>) offsets(%dma_start3A_235 : memref<200xi32, #tpu.memory_space<vmem>>) semaphore(%arg9 : memref<!tpu.dma_semaphore, #tpu.memory_space<semaphore_mem>>)
        %dma_start3A_239 = arith.constant 4 : i32
        %dma_start3A_240 = arith.constant 4 : i32
        %dma_start3A_241 = arith.constant 0 : i32
        %dma_start3A_242 = arith.constant 0 : i32
        %dma_start3A_243 = tpu.memref_slice %arg7[%dma_start3A_240, %dma_start3A_241, %dma_start3A_242] : memref<8x200x32xf32, #tpu.memory_space<vmem>> -> memref<1x200x32xf32, #tpu.memory_space<vmem>>
        %dma_start3A_244 = tpu.memref_squeeze %dma_start3A_243 : memref<1x200x32xf32, #tpu.memory_space<vmem>> -> memref<200x32xf32, #tpu.memory_space<vmem>>
        %dma_start3A_245 = arith.constant 0 : i32
        %dma_start3A_246 = tpu.memref_slice %arg5[%dma_start3A_239, %dma_start3A_245] : memref<8x200xi32, #tpu.memory_space<vmem>> -> memref<1x200xi32, #tpu.memory_space<vmem>>
        %dma_start3A_247 = tpu.memref_squeeze %dma_start3A_246 : memref<1x200xi32, #tpu.memory_space<vmem>> -> memref<200xi32, #tpu.memory_space<vmem>>
        %dma_start3A_248 = arith.constant 0 : i32
        %dma_start3A_249 = arith.constant 0 : i32
        %dma_start3A_250 = tpu.memref_slice %arg3[%dma_start3A_248, %dma_start3A_249] : memref<1000000x32xf32, #tpu.memory_space<hbm>> -> memref<1000000x32xf32, #tpu.memory_space<hbm>>
        tpu.enqueue_indirect_dma source(%dma_start3A_250 : memref<1000000x32xf32, #tpu.memory_space<hbm>>) target(%dma_start3A_244 : memref<200x32xf32, #tpu.memory_space<vmem>>) offsets(%dma_start3A_247 : memref<200xi32, #tpu.memory_space<vmem>>) semaphore(%arg9 : memref<!tpu.dma_semaphore, #tpu.memory_space<semaphore_mem>>)
        %dma_start3A_251 = arith.constant 5 : i32
        %dma_start3A_252 = arith.constant 5 : i32
        %dma_start3A_253 = arith.constant 0 : i32
        %dma_start3A_254 = arith.constant 0 : i32
        %dma_start3A_255 = tpu.memref_slice %arg7[%dma_start3A_252, %dma_start3A_253, %dma_start3A_254] : memref<8x200x32xf32, #tpu.memory_space<vmem>> -> memref<1x200x32xf32, #tpu.memory_space<vmem>>
        %dma_start3A_256 = tpu.memref_squeeze %dma_start3A_255 : memref<1x200x32xf32, #tpu.memory_space<vmem>> -> memref<200x32xf32, #tpu.memory_space<vmem>>
        %dma_start3A_257 = arith.constant 0 : i32
        %dma_start3A_258 = tpu.memref_slice %arg5[%dma_start3A_251, %dma_start3A_257] : memref<8x200xi32, #tpu.memory_space<vmem>> -> memref<1x200xi32, #tpu.memory_space<vmem>>
        %dma_start3A_259 = tpu.memref_squeeze %dma_start3A_258 : memref<1x200xi32, #tpu.memory_space<vmem>> -> memref<200xi32, #tpu.memory_space<vmem>>
        %dma_start3A_260 = arith.constant 0 : i32
        %dma_start3A_261 = arith.constant 0 : i32
        %dma_start3A_262 = tpu.memref_slice %arg3[%dma_start3A_260, %dma_start3A_261] : memref<1000000x32xf32, #tpu.memory_space<hbm>> -> memref<1000000x32xf32, #tpu.memory_space<hbm>>
        tpu.enqueue_indirect_dma source(%dma_start3A_262 : memref<1000000x32xf32, #tpu.memory_space<hbm>>) target(%dma_start3A_256 : memref<200x32xf32, #tpu.memory_space<vmem>>) offsets(%dma_start3A_259 : memref<200xi32, #tpu.memory_space<vmem>>) semaphore(%arg9 : memref<!tpu.dma_semaphore, #tpu.memory_space<semaphore_mem>>)
        %dma_start3A_263 = arith.constant 6 : i32
        %dma_start3A_264 = arith.constant 6 : i32
        %dma_start3A_265 = arith.constant 0 : i32
        %dma_start3A_266 = arith.constant 0 : i32
        %dma_start3A_267 = tpu.memref_slice %arg7[%dma_start3A_264, %dma_start3A_265, %dma_start3A_266] : memref<8x200x32xf32, #tpu.memory_space<vmem>> -> memref<1x200x32xf32, #tpu.memory_space<vmem>>
        %dma_start3A_268 = tpu.memref_squeeze %dma_start3A_267 : memref<1x200x32xf32, #tpu.memory_space<vmem>> -> memref<200x32xf32, #tpu.memory_space<vmem>>
        %dma_start3A_269 = arith.constant 0 : i32
        %dma_start3A_270 = tpu.memref_slice %arg5[%dma_start3A_263, %dma_start3A_269] : memref<8x200xi32, #tpu.memory_space<vmem>> -> memref<1x200xi32, #tpu.memory_space<vmem>>
        %dma_start3A_271 = tpu.memref_squeeze %dma_start3A_270 : memref<1x200xi32, #tpu.memory_space<vmem>> -> memref<200xi32, #tpu.memory_space<vmem>>
        %dma_start3A_272 = arith.constant 0 : i32
        %dma_start3A_273 = arith.constant 0 : i32
        %dma_start3A_274 = tpu.memref_slice %arg3[%dma_start3A_272, %dma_start3A_273] : memref<1000000x32xf32, #tpu.memory_space<hbm>> -> memref<1000000x32xf32, #tpu.memory_space<hbm>>
        tpu.enqueue_indirect_dma source(%dma_start3A_274 : memref<1000000x32xf32, #tpu.memory_space<hbm>>) target(%dma_start3A_268 : memref<200x32xf32, #tpu.memory_space<vmem>>) offsets(%dma_start3A_271 : memref<200xi32, #tpu.memory_space<vmem>>) semaphore(%arg9 : memref<!tpu.dma_semaphore, #tpu.memory_space<semaphore_mem>>)
        %dma_start3A_275 = arith.constant 7 : i32
        %dma_start3A_276 = arith.constant 7 : i32
        %dma_start3A_277 = arith.constant 0 : i32
        %dma_start3A_278 = arith.constant 0 : i32
        %dma_start3A_279 = tpu.memref_slice %arg7[%dma_start3A_276, %dma_start3A_277, %dma_start3A_278] : memref<8x200x32xf32, #tpu.memory_space<vmem>> -> memref<1x200x32xf32, #tpu.memory_space<vmem>>
        %dma_start3A_280 = tpu.memref_squeeze %dma_start3A_279 : memref<1x200x32xf32, #tpu.memory_space<vmem>> -> memref<200x32xf32, #tpu.memory_space<vmem>>
        %dma_start3A_281 = arith.constant 0 : i32
        %dma_start3A_282 = tpu.memref_slice %arg5[%dma_start3A_275, %dma_start3A_281] : memref<8x200xi32, #tpu.memory_space<vmem>> -> memref<1x200xi32, #tpu.memory_space<vmem>>
        %dma_start3A_283 = tpu.memref_squeeze %dma_start3A_282 : memref<1x200xi32, #tpu.memory_space<vmem>> -> memref<200xi32, #tpu.memory_space<vmem>>
        %dma_start3A_284 = arith.constant 0 : i32
        %dma_start3A_285 = arith.constant 0 : i32
        %dma_start3A_286 = tpu.memref_slice %arg3[%dma_start3A_284, %dma_start3A_285] : memref<1000000x32xf32, #tpu.memory_space<hbm>> -> memref<1000000x32xf32, #tpu.memory_space<hbm>>
        tpu.enqueue_indirect_dma source(%dma_start3A_286 : memref<1000000x32xf32, #tpu.memory_space<hbm>>) target(%dma_start3A_280 : memref<200x32xf32, #tpu.memory_space<vmem>>) offsets(%dma_start3A_283 : memref<200xi32, #tpu.memory_space<vmem>>) semaphore(%arg9 : memref<!tpu.dma_semaphore, #tpu.memory_space<semaphore_mem>>)
      } else {
      }
      %dma_wait3A_167 = arith.constant 0 : i32
      %dma_wait3A_168 = arith.constant 0 : i32
      %dma_wait3A_169 = arith.constant 0 : i32
      %dma_wait3A_170 = tpu.memref_slice %arg4[%dma_wait3A_167, %dma_wait3A_168, %dma_wait3A_169] : memref<13824x200x32xf32, #tpu.memory_space<hbm>> -> memref<8x200x32xf32, #tpu.memory_space<hbm>>
      %dma_wait3A_171 = arith.constant 0 : i32
      %dma_wait3A_172 = arith.constant 0 : i32
      %dma_wait3A_173 = arith.constant 0 : i32
      %dma_wait3A_174 = tpu.memref_slice %arg4[%dma_wait3A_171, %dma_wait3A_172, %dma_wait3A_173] : memref<13824x200x32xf32, #tpu.memory_space<hbm>> -> memref<8x200x32xf32, #tpu.memory_space<hbm>>
      tpu.wait_dma2 semaphore(%arg10 : memref<!tpu.dma_semaphore, #tpu.memory_space<semaphore_mem>>) src(%dma_wait3A_174 : memref<8x200x32xf32, #tpu.memory_space<hbm>>) dst(%arg8 : memref<8x200x32xf32, #tpu.memory_space<vmem>>)
      %mul3A_175 = arith.constant 8 : i32
      %mul3A_176 = arith.muli %add3A_154, %mul3A_175 : i32
      %add3A_177 = arith.addi %mul3A_2, %mul3A_176 : i32
      %dma_start3A_178 = arith.constant 0 : i32
      %dma_start3A_179 = arith.constant 0 : i32
      %dma_start3A_180 = tpu.memref_slice %arg4[%add3A_177, %dma_start3A_178, %dma_start3A_179] : memref<13824x200x32xf32, #tpu.memory_space<hbm>> -> memref<8x200x32xf32, #tpu.memory_space<hbm>>
      %dma_start3A_181 = arith.constant 0 : i32
      %dma_start3A_182 = arith.constant 0 : i32
      %dma_start3A_183 = tpu.memref_slice %arg4[%add3A_177, %dma_start3A_181, %dma_start3A_182] : memref<13824x200x32xf32, #tpu.memory_space<hbm>> -> memref<8x200x32xf32, #tpu.memory_space<hbm>>
      tpu.enqueue_dma source(%arg8 : memref<8x200x32xf32, #tpu.memory_space<vmem>>) target(%dma_start3A_183 : memref<8x200x32xf32, #tpu.memory_space<hbm>>) target_semaphore(%arg11 : memref<!tpu.dma_semaphore, #tpu.memory_space<semaphore_mem>>)
      %add3A_184 = arith.constant 2 : i32
      %add3A_185 = arith.addi %add3A_154, %add3A_184 : i32
      %lt3A_186 = arith.constant 54 : i32
      %lt3A_187 = arith.cmpi slt, %add3A_185, %lt3A_186 : i32
      %convert_element_type3A_188 = arith.extui %lt3A_187 : i1 to i32
      %cond3A_189 = arith.constant 0 : i32
      %cond3A_190 = arith.cmpi ne, %convert_element_type3A_188, %cond3A_189 : i32
      scf.if %cond3A_190 {
        %add3A_191 = arith.constant 2 : i32
        %add3A_192 = arith.addi %add3A_154, %add3A_191 : i32
        %mul3A_193 = arith.constant 8 : i32
        %mul3A_194 = arith.muli %add3A_192, %mul3A_193 : i32
        %add3A_195 = arith.addi %mul3A_2, %mul3A_194 : i32
        "tpu.region"() ({
          %run_scoped3A = tpu.sem_alloc : memref<!tpu.dma_semaphore, #tpu.memory_space<semaphore_mem>>
          %dma_start3A_196 = arith.constant 0 : i32
          %dma_start3A_197 = tpu.memref_slice %arg2[%add3A_195, %dma_start3A_196] : memref<13824x200xi32, #tpu.memory_space<hbm>> -> memref<8x200xi32, #tpu.memory_space<hbm>>
          %dma_start3A_198 = arith.constant 0 : i32
          %dma_start3A_199 = tpu.memref_slice %arg2[%add3A_195, %dma_start3A_198] : memref<13824x200xi32, #tpu.memory_space<hbm>> -> memref<8x200xi32, #tpu.memory_space<hbm>>
          tpu.enqueue_dma source(%dma_start3A_199 : memref<8x200xi32, #tpu.memory_space<hbm>>) target(%arg6 : memref<8x200xi32, #tpu.memory_space<vmem>>) target_semaphore(%run_scoped3A : memref<!tpu.dma_semaphore, #tpu.memory_space<semaphore_mem>>)
          %dma_wait3A_200 = arith.constant 0 : i32
          %dma_wait3A_201 = tpu.memref_slice %arg2[%add3A_195, %dma_wait3A_200] : memref<13824x200xi32, #tpu.memory_space<hbm>> -> memref<8x200xi32, #tpu.memory_space<hbm>>
          %dma_wait3A_202 = arith.constant 0 : i32
          %dma_wait3A_203 = tpu.memref_slice %arg2[%add3A_195, %dma_wait3A_202] : memref<13824x200xi32, #tpu.memory_space<hbm>> -> memref<8x200xi32, #tpu.memory_space<hbm>>
          tpu.wait_dma2 semaphore(%run_scoped3A : memref<!tpu.dma_semaphore, #tpu.memory_space<semaphore_mem>>) src(%dma_wait3A_203 : memref<8x200xi32, #tpu.memory_space<hbm>>) dst(%arg6 : memref<8x200xi32, #tpu.memory_space<vmem>>)
          tpu.yield
        }) : () -> ()
      } else {
      }
    }
    %scan3A_106 = arith.constant 27 : i32
    %add3A_107 = arith.constant 424 : i32
    %add3A_108 = arith.addi %mul3A_2, %add3A_107 : i32
    %dma_wait3A = arith.constant 0 : i32
    %dma_wait3A_109 = arith.constant 0 : i32
    %dma_wait3A_110 = tpu.memref_slice %arg4[%add3A_108, %dma_wait3A, %dma_wait3A_109] : memref<13824x200x32xf32, #tpu.memory_space<hbm>> -> memref<8x200x32xf32, #tpu.memory_space<hbm>>
    %dma_wait3A_111 = arith.constant 0 : i32
    %dma_wait3A_112 = arith.constant 0 : i32
    %dma_wait3A_113 = tpu.memref_slice %arg4[%add3A_108, %dma_wait3A_111, %dma_wait3A_112] : memref<13824x200x32xf32, #tpu.memory_space<hbm>> -> memref<8x200x32xf32, #tpu.memory_space<hbm>>
    tpu.wait_dma2 semaphore(%arg11 : memref<!tpu.dma_semaphore, #tpu.memory_space<semaphore_mem>>) src(%arg8 : memref<8x200x32xf32, #tpu.memory_space<vmem>>) dst(%dma_wait3A_113 : memref<8x200x32xf32, #tpu.memory_space<hbm>>)
    return
  }
}

</mosaic_0001>

<sc_bundles>
// kernel: gather_offload_async_start
scs
__scs_entry_jumppad:
0x0: {  	(pc) =	sbr.rel $0x88, $3  }
0x1: {  	(tag) =	ssettag $0x0;
	lr =	simm.s32 $0x1  }
0x2: {  	[smem:$0x3F9F] =	sst lr;
	_ =	strace $0xD0000000  }
0x3: {  	_ = 	snop  }
0x4: {  	_ = 	snop  }
0x5: {  	_ = 	snop  }
0x6: {  	_ = 	snop  }
0x7: {  	_ = 	snop  }
__scs_overlays_trampoline_lowered:
0x8: {  	[smem:$0x3FAE] =	sst s0  }
0x9: {  	[smem:$0x3FAF] =	sst s1  }
0xa: {  	[smem:$0x3FB0] =	sst s2  }
0xb: {  	[smem:$0x3FB1] =	sst s3  }
0xc: {  	[smem:$0x3FB2] =	sst s4  }
0xd: {  	[smem:$0x3FB3] =	sst s5  }
0xe: {  	[smem:$0x3FB4] =	sst s6  }
0xf: {  	[smem:$0x3FB5] =	sst s7  }
0x10: {  	[smem:$0x3FB6] =	sst s8  }
0x11: {  	[smem:$0x3FB7] =	sst s9;
	s0 =	simm.s32 @!p0 $0x0  }
0x12: {  	s1 =	sld [smem:$0x3F9D];
	s0 =	simm.s32 @p0 $0x1  }
0x13: {  	[smem:$0x3FB8] =	sst s0;
	s0 =	simm.s32 @!p1 $0x0  }
0x14: {  	s2 =	sld [smem:$0x3F9C];
	s0 =	simm.s32 @p1 $0x1  }
0x15: {  	[smem:$0x3FB9] =	sst s0;
	s0 =	simm.s32 @!p2 $0x0  }
0x16: {  	s3 =	sld [smem:$0x3FDB];
	s0 =	simm.s32 @p2 $0x1  }
0x17: {  	s4 =	simm.s32 $0x1BF5;
	[smem:$0x3FBB] =	sst s0  }
0x18: {  	s0 =	sld [smem:$0x3F9E];
	_ =	swait.ge [sflag:s4], $0x0  }
0x19: {  	s7 =	sld [smem:$0x3F9F]  }
0x1a: {  	s8 =	sadd.s32 $0xFFFFE003, lr  }
0x1b: {  	s9 =	sadd.s32 $0xFFFFFEF7, lr;
	s5 =	simm.s32 $0xFFFFFFFF;
	p2 =	slt.u32 s8, $0xFFFFF086  }
0x1c: {  	p1 =	slt.u32 s9, $0xF7A;
	s5 =	simm.s32 @!p2 $0x0  }
0x1d: {  	s5 =	simm.s32 @p1 $0x1;
	p0 =	seq.s32 s7, s2  }
0x1e: {  	s7 =	smul.u32 @!p0 $0xF7A, s2;
	p2 =	seq.s32 @!p0 s5, $0x0  }
0x1f: {  	s9 =	smul.u32 $0xF7A, s1;
	s8 =	simm.s32 @!p0 $0x1BF5;
	p2 =	por !p2, p0  }
0x20: {  	[sflag:s8] =	ssyncset.s32 @!p0 $0xFFFFF086;
	s6 =	sadd.s32 @!p0 s3, s7;
	s7 =	simm.s32 @!p0 $0x108  }
0x21: {  	s3 =	sadd.s32 s3, s9;
	s6 =	sadd.s32 @!p0 $0x88, s6;
	s7 =	simm.s32 @p2 $0x1082  }
0x22: {  	[simem:s7], [sflag:s8] =	dma.local @!p0 [hbm:s6], $0xF7A  }
0x23: {  	s9 =	sor.u32 $0xD0000000, s2;
	s6 =	simm.s32 $0x108;
	_ =	swait.ge @!p0 [sflag:s8], $0x0  }
0x24: {  	s3 =	sadd.s32 $0x88, s3;
	s6 =	simm.s32 @!p1 $0x1082;
	[sflag:s4] =	ssyncset.s32 $0xFFFFF086  }
0x25: {  	[simem:s6], [sflag:s4] =	dma.local [hbm:s3], $0xF7A  }
0x26: {  	[smem:$0x3F9F] =	sst s1;
	(tag) =	ssettag s2;
	_ =	strace s9  }
0x27: {  	s1 =	sld [smem:$0x3FAF]  }
0x28: {  	s2 =	sld [smem:$0x3FB0]  }
0x29: {  	s4 =	sld [smem:$0x3FB2]  }
0x2a: {  	p0 =	seq.s32 s5, $0x0;
	s5 =	sld [smem:$0x3FB3]  }
0x2b: {  	s6 =	sld [smem:$0x3FB4]  }
0x2c: {  	s7 =	sld [smem:$0x3FB5]  }
0x2d: {  	s3 =	simm.s32 $0x108;
	s8 =	sld [smem:$0x3FB6]  }
0x2e: {  	s3 =	simm.s32 @!p0 $0x1082;
	s9 =	sld [smem:$0x3FB7]  }
0x2f: {  	lr =	sadd.s32 s0, s3;
	s0 =	sld [smem:$0x3FAE]  }
0x30: {  	s3 =	sld [smem:$0x3FB1]  }
0x31: {  	[smem:$0x3FBA] =	sst s10  }
0x32: {  	s10 =	sld [smem:$0x3FB8];
	_ =	sdelay $0x3  }
0x33: {  	p0 =	seq.s32 s10, $0x1;
	s10 =	sld [smem:$0x3FBA];
	_ =	sdelay $0x3  }
0x34: {  	[smem:$0x3FBA] =	sst s10  }
0x35: {  	s10 =	sld [smem:$0x3FB9];
	_ =	sdelay $0x3  }
0x36: {  	p1 =	seq.s32 s10, $0x1;
	s10 =	sld [smem:$0x3FBA];
	_ =	sdelay $0x3  }
0x37: {  	[smem:$0x3FBA] =	sst s10  }
0x38: {  	s10 =	sld [smem:$0x3FBB]  }
0x39: {  	_ = 	snop;
	(pc) =	sbr.ind lr, $3  }
0x3a: {  	_ = 	snop  }
0x3b: {  	_ = 	snop  }
0x3c: {  	p2 =	seq.s32 s10, $0x1;
	s10 =	sld [smem:$0x3FBA]  }
0x3d: {  	_ =	shalt  }
0x3e: {  	_ =	shalt  }
0x3f: {  	_ =	shalt  }
0x40: {  	_ =	shalt  }
0x41: {  	_ =	shalt  }
0x42: {  	_ =	shalt  }
0x43: {  	_ =	shalt  }
0x44: {  	_ =	shalt  }
0x45: {  	_ =	shalt  }
0x46: {  	_ =	shalt  }
0x47: {  	_ =	shalt  }
0x48: {  	_ =	shalt  }
0x49: {  	_ =	shalt  }
0x4a: {  	_ =	shalt  }
0x4b: {  	_ =	shalt  }
0x4c: {  	_ =	shalt  }
0x4d: {  	_ =	shalt  }
0x4e: {  	_ =	shalt  }
0x4f: {  	_ =	shalt  }
0x50: {  	_ =	shalt  }
0x51: {  	_ =	shalt  }
0x52: {  	_ =	shalt  }
0x53: {  	_ =	shalt  }
0x54: {  	_ =	shalt  }
0x55: {  	_ =	shalt  }
0x56: {  	_ =	shalt  }
0x57: {  	_ =	shalt  }
0x58: {  	_ =	shalt  }
0x59: {  	_ =	shalt  }
0x5a: {  	_ =	shalt  }
0x5b: {  	_ =	shalt  }
0x5c: {  	_ =	shalt  }
0x5d: {  	_ =	shalt  }
0x5e: {  	_ =	shalt  }
0x5f: {  	_ =	shalt  }
0x60: {  	_ =	shalt  }
0x61: {  	_ =	shalt  }
0x62: {  	_ =	shalt  }
0x63: {  	_ =	shalt  }
0x64: {  	_ =	shalt  }
0x65: {  	_ =	shalt  }
0x66: {  	_ =	shalt  }
0x67: {  	_ =	shalt  }
0x68: {  	_ =	shalt  }
0x69: {  	_ =	shalt  }
0x6a: {  	_ =	shalt  }
0x6b: {  	_ =	shalt  }
0x6c: {  	_ =	shalt  }
0x6d: {  	_ =	shalt  }
0x6e: {  	_ =	shalt  }
0x6f: {  	_ =	shalt  }
0x70: {  	_ =	shalt  }
0x71: {  	_ =	shalt  }
0x72: {  	_ =	shalt  }
0x73: {  	_ =	shalt  }
0x74: {  	_ =	shalt  }
0x75: {  	_ =	shalt  }
0x76: {  	_ =	shalt  }
0x77: {  	_ =	shalt  }
0x78: {  	_ =	shalt  }
0x79: {  	_ =	shalt  }
0x7a: {  	_ =	shalt  }
0x7b: {  	_ =	shalt  }
0x7c: {  	_ =	shalt  }
0x7d: {  	_ =	shalt  }
0x7e: {  	_ =	shalt  }
0x7f: {  	_ =	shalt  }
0x80: {  	_ =	shalt  }
0x81: {  	_ =	shalt  }
0x82: {  	_ =	shalt  }
0x83: {  	_ =	shalt  }
0x84: {  	_ =	shalt  }
0x85: {  	_ =	shalt  }
0x86: {  	_ =	shalt  }
0x87: {  	_ =	shalt  }
.Lfunc_end0:
.L_simem_size_0:
called_computation.2_lowered:
.L_overlay_start_0:
0x88: {  	s2 =	sld [smem:$0x3FD9]  }
0x89: {  	s3 =	sld [smem:$0x3FFE];
	_ =	sdelay $0x1  }
0x8a: {  	s1 =	srdreg.scid  }
0x8b: {  	s0 =	sand.u32 $0x1, s1  }
0x8c: {  	s17 =	sshll.u32 s0, $0xA;
	s2 =	sadd.s32 s3, s2  }
0x8d: {  	s2 =	sadd.s32 s2, s17  }
0x8e: {  	[smem:$0x3FC6] =	sst s2  }
0x8f: {  	_ = 	snop  }
0x90: {  	s2 =	sld [smem:$0x3FC8];
	(tm) =	ssettm $0x1  }
0x91: {  	s18 =	sld [smem:$0x3FFB];
	_ =	sdelay $0x3  }
0x92: {  	_ =	strace s18  }
0x93: {  	s3 =	sld [smem:$0x3FFC];
	_ =	sdelay $0x3  }
0x94: {  	_ =	strace s3  }
0x95: {  	s3 =	sld [smem:$0x3FFD];
	_ =	sdelay $0x3  }
0x96: {  	_ =	strace s3  }
0x97: {  	_ =	strace $0x8FFFFFFF  }
0x98: {  	s19 =	sld [smem:$0x3FDB];
	_ =	sdelay $0x1  }
0x99: {  	s4 =	simm.s32 $_scs_section_size  }
0x9a: {  	s5 =	simm.s32 $_size__tile_overlayer_lowered;
	s6 =	simm.s32 $_tile_overlayer_lowered  }
0x9b: {  	s22 =	simm.s32 $0x1BFF;
	s21 =	sshll.u32 s6, $0x1;
	s3 =	sadd.s32 s4, s19  }
0x9c: {  	s7 =	simm.s32 $0x0;
	s20 =	sshll.u32 s5, $0x1;
	s5 =	sadd.s32 s21, s3  }
0x9d: {  	[timem:s7], [sflag:s22] =	dma.local [hbm:s5], s20  }
0x9e: {  	_ =	swait.ge [sflag:s22], s20  }
0x9f: {  	s4 =	ssub.s32 $0x0, s20;
	[sflag:s22] =	ssyncset.done $0x0  }
0xa0: {  	[sflag:s22] =	ssyncadd.s32 s4;
	_ =	sdelay $0x1  }
0xa1: {  	s23 =	simm.s32 $0x1B8B  }
0xa2: {  	_ =	swait.ge [sflag:s23], $0x1  }
0xa3: {  	[sflag:s23] =	ssyncset.done $0x0  }
0xa4: {  	s25 =	simm.s32 $0x1B8E;
	s24 =	sld [smem:$0x3FFE];
	[sflag:s23] =	ssyncadd.s32 $0xFFFFFFFF  }
0xa5: {  	s26 =	simm.s32 $execute0_lowered;
	[smem:$0x3FD2] =	sst s25  }
0xa6: {  	s5 =	sshll.u32 s26, $0x1;
	_ =	strace $0x80000046;
	[dreg:$0x1] =	wrdreg $0xFFFFFFFF  }
0xa7: {  	s28 =	simm.s32 $_size_execute0_lowered;
	s3 =	sadd.s32 s3, s5;
	[dreg:$0x0] =	wrdreg $0x0  }
0xa8: {  	s5 =	sshll.u32 s28, $0x1;
	[dreg:$0x2] =	wrdreg s3  }
0xa9: {  	[dreg:$0x3] =	wrdreg s5  }
0xaa: {  	[dreg:$0x4] =	wrdreg $0xC0  }
0xab: {  	_ =	task [dreg:s7], $0x5FFFF  }
0xac: {  	[dreg:$0x1] =	wrdreg $0xFFFFFFFF  }
0xad: {  	[dreg:$0x0] =	wrdreg $0x60  }
0xae: {  	[dreg:$0x2] =	wrdreg s2  }
0xaf: {  	[dreg:$0x3] =	wrdreg s24  }
0xb0: {  	[dreg:$0x4] =	wrdreg $0x9  }
0xb1: {  	_ =	task.clear_ibuf [dreg:s7], $0x5FFFF;
	_ =	strace $0x90000046  }
0xb2: {  	s29 =	simm.s32 $0x9;
	_ =	strace $0x80000048  }
0xb3: {  	_ =	swait.ge [sflag:s29], $0x1  }
0xb4: {  	[sflag:s29] =	ssyncadd.s32 $0xFFFFFFFF  }
0xb5: {  	_ =	strace $0x90000048  }
0xb6: {  	_ =	sfence  }
0xb7: {  	s30 =	sld [smem:$0x0];
	_ =	sdelay $0x2  }
0xb8: {  	s31 =	sshll.u32 s1, $0xD;
	s1 =	sshrl.u32 s1, $0x2  }
0xb9: {  	s3 =	sand.u32 $0x4000, s31;
	s1 =	sadd.s32 s1, s30  }
0xba: {  	s0 =	sor.u32 s3, s0;
	s1 =	sshll.u32 s1, $0x11  }
0xbb: {  	s0 =	sor.u32 s1, s0  }
0xbc: {  	s0 =	sadd.s32 $0x8F2B, s0  }
0xbd: {  	[sflag:s0] =	ssyncadd.remote.s32 $0x1  }
0xbe: {  	_ =	sfence.sel $0xFFFF  }
0xbf: {  	[dreg:$0x0] =	wrdreg $0xFFFFFFFF;
	(pc) =	sbr.abs _section_cstart, $3  }
0xc0: {  	[dreg:$0x1] =	wrdreg $0xFFFFFFFF  }
0xc1: {  	_ =	task.clear_ibuf [dreg:s7], $0x2FFFF;
	_ =	strace $0x9FFFFFFF  }
0xc2: {  	(tm) =	ssettm $0x7FFFFFFF  }
0xc3: {  	_ =	shalt  }
tec
execute0_lowered:
.L_overlay_start_1:
0x0: {  	(tag) =	ssettag $0x1  }
0x1: {  	s0 =	stileid.u32;
	s1 =	srdreg.scid  }
0x2: {  	s1 =	sand.u32 $0x1, s1;
	s2 =	sshll.u32 s0, $0x1  }
0x3: {  	s1 =	sor.u32 s2, s1  }
0x4: {  	s2 =	smul.u32 $0x500, s1  }
0x5: {  	s3 =	rddreg [dreg:$0x0]  }
0x6: {  	s11 =	rddreg [dreg:$0x1];
	s7 =	ssub.s32 $0x7D000, s2  }
0x7: {  	s4 =	simm.s32 $0x1;
	s10 =	simm.s32 $0x3;
	s5 =	smulhi.u32 $0x66667, s7  }
0x8: {  	s13 =	simm.s32 $0x0;
	s16 =	simm.s32 $0x0;
	s15 =	simm.s32 $0x0  }
0x9: {  	s1 =	rddreg [dreg:$0x2];
	_ =	strace $0x80000047;
	s8 =	sshrl.u32 s5, $0x2  }
0xa: {  	s6 =	sadd.s32 $0x1600, s11;
	[sflag:s4] =	ssyncpa.u1 $0x0;
	s9 =	smul.u32 $0xA000, s8  }
.Ltmp0:
0xb: {  	s14 =	smov.u32 s2;
	s5 =	simm.s32 $0x2;
	(pc) =	sbr.rel .LBB2_1-.Ltmp0, $4  }
0xc: {  	[sflag:s5] =	ssyncpa.u1 $0x0;
	p0 =	sne.s32 s7, s9;
	s9 =	simm.s32 $0x1  }
0xd: {  	[sflag:s10] =	ssyncpa.u1 $0x0;
	s10 =	sadd.s32 $0x10B000, s11;
	s9 =	simm.s32 @!p0 $0x0  }
0xe: {  	s7 =	sadd.s32 $0x11000, s11;
	p0 =	por $0x0, $0x0;
	s8 =	sadd.s32 s9, s8  }
0xf: {  	vm0 =	vmmov $0xffff;
	v0 =	vlaneseq.u32;
	s9 =	sadd.s32 $0x8E000, s11;
	s11 =	sadd.s32 $0x188000, s11;
	s12 =	sadd.s32 $0x1, s8  }
.LBB2_4:
0x10: {  	_ =	sdelay $0x1  }
0x11: {  	(ifvalue) =	ssetifvalue $0x7FFFFFFF  }
0x12: {  	s19 =	sshll.u32 s16, $0x3;
	(ifvalue) =	ssetifvalue $0x7FFFFFFF  }
0x13: {  	[tilespmem:s25], [sflag:$0x1] =	stream.indirect_vreg.gather [hbm4b:s3+s13], $0x1, v1, vm0, $0x4038;
	[tilespmem:$0x14A00] =	vst v63  }
0x14: {  	s24 =	sand.u32 $0x78, s16;
	s19 =	sand.u32 $0xFFFFFC00, s19  }
0x15: {  	_ =	swait.ge [sflag:s4], $0xA000;
	s16 =	sor.u32 s24, s19  }
0x16: {  	[sflag:s4] =	ssyncset.done $0x0;
	s16 =	sshrl.u32 s16, $0x3  }
0x17: {  	[sflag:s4] =	ssyncadd.s32 $0xFFFF6000;
	s25 =	sadd.s32 s7, s16  }
0x18: {  	[hbm:s25] =	stream.linear.scatter [tilespmem:s18], [sflag:$0x3], $0x2800, $0x38;
	[tilespmem:$0x14A00] =	vst v63  }
0x19: {  	s26 =	sadd.s32 $0x3200, s17;
	s28 =	sadd.s32 s16, s9  }
0x1a: {  	[hbm:s28] =	stream.linear.scatter [tilespmem:s26], [sflag:$0x3], $0x2800, $0x38;
	[tilespmem:$0x14A00] =	vst v63  }
0x1b: {  	s29 =	sadd.s32 $0x5A00, s17;
	s30 =	sadd.s32 s16, s10  }
0x1c: {  	[hbm:s30] =	stream.linear.scatter [tilespmem:s29], [sflag:$0x3], $0x2800, $0x38;
	[tilespmem:$0x14A00] =	vst v63  }
0x1d: {  	s31 =	sadd.s32 $0x8200, s17;
	s16 =	sadd.s32 s16, s11  }
0x1e: {  	[hbm:s16] =	stream.linear.scatter [tilespmem:s31], [sflag:$0x3], $0x2800, $0x38;
	[tilespmem:$0x14A00] =	vst v63  }
.LBB2_5:
0x1f: {  	s18 =	sadd.s32 $0xA000, s14  }
0x20: {  	p2 =	sgt.s32 s18, $0x7CFFF  }
0x21: {  	s18 =	smov.u32 @p2 s2;
	p2 =	sne.s32 s15, s12  }
.Ltmp1:
0x22: {  	p1 =	slt.u32 s15, $0x2;
	(pc) =	sbr.rel @!p2 .LBB2_6-.Ltmp1, $4  }
0x23: {  	s17 =	simm.s32 @!p1 $0x3  }
0x24: {  	s19 =	sadd.s32 $0x1, s15;
	_ =	swait.ge @!p1 [sflag:s17], $0xA000  }
0x25: {  	s16 =	smov.u32 s14;
	p0 =	por !p0, !p0;
	[sflag:s17] =	ssyncset.done @!p1 $0x0  }
0x26: {  	s15 =	smov.u32 s19;
	s14 =	smov.u32 s18;
	[sflag:s17] =	ssyncadd.s32 @!p1 $0xFFFF6000  }
.LBB2_1:
0x27: {  	p1 =	sge.u32 s15, s8  }
0x28: {  	s17 =	sxor.u32 @!p1 $0xFFFFFFFF, s15  }
0x29: {  	s17 =	sand.u32 @!p1 $0x1, s17  }
0x2a: {  	s17 =	smul.u32 @!p1 $0x1400, s17  }
0x2b: {  	s31 =	sadd.s32 $0xFFFFFFFF, s15;
	s18 =	sshrl.u32 @!p1 s14, $0x3  }
0x2c: {  	s19 =	sand.u32 @!p1 $0x7, s14;
	s18 =	sadd.s32 @!p1 s6, s18;
	s17 =	sshrl.u32 @!p1 s17, $0x2  }
0x2d: {  	[tilespmem:s17], [sflag:$0x2] =	stream.linear.gather @!p1 [hbm4b:s18+s19], $0x500, $0x38;
	[tilespmem:$0x14A00] =	vst v63  }
0x2e: {  	p1 =	sge.u32 s31, s8  }
.Ltmp2:
0x2f: {  	_ = 	snop;
	(pc) =	sbr.rel @p1 .LBB2_5-.Ltmp2, $1  }
0x30: {  	_ =	sdelay $0x3  }
0x31: {  	s17 =	simm.s32 $0x1  }
0x32: {  	s17 =	simm.s32 @!p0 $0x0  }
0x33: {  	_ =	swait.ge [sflag:s5], $0x500;
	s17 =	smul.u32 $0x1400, s17  }
0x34: {  	[sflag:s5] =	ssyncset.done $0x0  }
0x35: {  	[sflag:s5] =	ssyncadd.s32 $0xFFFFFB00;
	s21 =	sshrl.u32 s17, $0x2  }
0x36: {  	v1 =	vld.msk [tilespmem:s21+$0x0 ss:$0x1], $0xffff;
	_ =	sdelay $0x2  }
0x37: {  	s22 =	ssub.s32 $0x7D000, s16  }
0x38: {  	p1 =	slt.s32 s22, $0x500  }
0x39: {  	s22 =	simm.s32 @!p1 $0x500;
	vm1 =	vgt.s32 v1, $0x0  }
0x3a: {  	p1 =	sgt.s32 s22, $0x0;
	s17 =	smov.u32 s22;
	v1 =	vnsel vm1, $0x0, v1  }
0x3b: {  	s17 =	simm.s32 @!p1 $0x0;
	v1 =	vmin.u32 v1, $0xF423F  }
0x3c: {  	s17 =	smin.u32 s17, $0x10;
	v2 =	vshll.u32 v1, $0x3  }
0x3d: {  	s18 =	sand.u32 $0x1, s15;
	v3 =	vmov s17;
	v1 =	vand.u32 $0x7F, v1;
	v2 =	vand.u32 $0x7FFC00, v2  }
0x3e: {  	s23 =	smul.u32 $0x28000, s18;
	vm1 =	vgt.u32 v3, v0;
	v1 =	vor.u32 v1, v2  }
0x3f: {  	v2 =	vnsel vm1, $0x7FFFFFFF, v1  }
0x40: {  	s20 =	simm.s32 $0x0;
	s17 =	sshrl.u32 s23, $0x2  }
0x41: {  	s19 =	simm.s32 $0x0;
	s20 =	sand.u32 $0x3C00, s20;
	s18 =	sor.u32 $0xA00, s17;
	v3 =	vor.u32 $0x80, v1  }
0x42: {  	(ifvalue) =	ssetifvalue $0x7FFFFFFF;
	s23 =	sand.u32 $0x70, s19;
	s20 =	sadd.s32 s20, s18;
	v3 =	vnsel vm1, $0x7FFFFFFF, v3  }
0x43: {  	(ifvalue) =	ssetifvalue $0x7FFFFFFF;
	s23 =	sadd.s32 s23, s20  }
0x44: {  	v4 =	vor.u32 $0x100, v1;
	[tilespmem:s23], [sflag:$0x1] =	stream.indirect_vreg.gather [hbm4b:s3+s13], $0x1, v2, vm0, $0x4038;
	[tilespmem:$0x14A00] =	vst v63  }
0x45: {  	v2 =	vnsel vm1, $0x7FFFFFFF, v4;
	(ifvalue) =	ssetifvalue $0x7FFFFFFF  }
0x46: {  	s20 =	sadd.s32 $0x80, s23;
	(ifvalue) =	ssetifvalue $0x7FFFFFFF  }
0x47: {  	v36 =	vor.u32 $0x180, v1;
	[tilespmem:s20], [sflag:$0x1] =	stream.indirect_vreg.gather [hbm4b:s3+s13], $0x1, v3, vm0, $0x4038;
	[tilespmem:$0x14A00] =	vst v63  }
0x48: {  	v3 =	vnsel vm1, $0x7FFFFFFF, v36;
	(ifvalue) =	ssetifvalue $0x7FFFFFFF  }
0x49: {  	s24 =	sadd.s32 $0x100, s23;
	(ifvalue) =	ssetifvalue $0x7FFFFFFF  }
0x4a: {  	v37 =	vor.u32 $0x200, v1;
	[tilespmem:s24], [sflag:$0x1] =	stream.indirect_vreg.gather [hbm4b:s3+s13], $0x1, v2, vm0, $0x4038;
	[tilespmem:$0x14A00] =	vst v63  }
0x4b: {  	v2 =	vnsel vm1, $0x7FFFFFFF, v37;
	(ifvalue) =	ssetifvalue $0x7FFFFFFF  }
0x4c: {  	s25 =	sadd.s32 $0x180, s23;
	(ifvalue) =	ssetifvalue $0x7FFFFFFF  }
0x4d: {  	v38 =	vor.u32 $0x280, v1;
	[tilespmem:s25], [sflag:$0x1] =	stream.indirect_vreg.gather [hbm4b:s3+s13], $0x1, v3, vm0, $0x4038;
	[tilespmem:$0x14A00] =	vst v63  }
0x4e: {  	v3 =	vnsel vm1, $0x7FFFFFFF, v38;
	(ifvalue) =	ssetifvalue $0x7FFFFFFF  }
0x4f: {  	s26 =	sadd.s32 $0x200, s23;
	(ifvalue) =	ssetifvalue $0x7FFFFFFF  }
0x50: {  	v39 =	vor.u32 $0x300, v1;
	[tilespmem:s26], [sflag:$0x1] =	stream.indirect_vreg.gather [hbm4b:s3+s13], $0x1, v2, vm0, $0x4038;
	[tilespmem:$0x14A00] =	vst v63  }
0x51: {  	v2 =	vnsel vm1, $0x7FFFFFFF, v39;
	(ifvalue) =	ssetifvalue $0x7FFFFFFF  }
0x52: {  	s28 =	sand.u32 $0x7, s19;
	s24 =	sadd.s32 $0x280, s23;
	(ifvalue) =	ssetifvalue $0x7FFFFFFF  }
0x53: {  	v40 =	vor.u32 $0x380, v1;
	[tilespmem:s24], [sflag:$0x1] =	stream.indirect_vreg.gather [hbm4b:s3+s13], $0x1, v3, vm0, $0x4038;
	[tilespmem:$0x14A00] =	vst v63  }
0x54: {  	s20 =	sshll.u32 s28, $0x4;
	v3 =	vnsel vm1, $0x7FFFFFFF, v40;
	(ifvalue) =	ssetifvalue $0x7FFFFFFF  }
0x55: {  	s29 =	sadd.s32 $0x300, s23;
	s20 =	sadd.s32 $0x0, s20;
	(ifvalue) =	ssetifvalue $0x7FFFFFFF  }
0x56: {  	v41 =	vadd.s32 $0x7A1400, v1;
	[tilespmem:s29], [sflag:$0x1] =	stream.indirect_vreg.gather [hbm4b:s3+s13], $0x1, v2, vm0, $0x4038;
	[tilespmem:$0x14A00] =	vst v63  }
0x57: {  	s20 =	sor.u32 $0x380, s20;
	v2 =	vnsel vm1, $0x7FFFFFFF, v41;
	(ifvalue) =	ssetifvalue $0x7FFFFFFF  }
0x58: {  	s20 =	sadd.s32 s20, s18;
	(ifvalue) =	ssetifvalue $0x7FFFFFFF  }
0x59: {  	v42 =	vadd.s32 $0x7A1480, v1;
	[tilespmem:s20], [sflag:$0x1] =	stream.indirect_vreg.gather [hbm4b:s3+s13], $0x1, v3, vm0, $0x4038;
	[tilespmem:$0x14A00] =	vst v63  }
0x5a: {  	v3 =	vnsel vm1, $0x7FFFFFFF, v42;
	(ifvalue) =	ssetifvalue $0x7FFFFFFF  }
0x5b: {  	s30 =	sadd.s32 $0x2800, s23;
	(ifvalue) =	ssetifvalue $0x7FFFFFFF  }
0x5c: {  	v43 =	vadd.s32 $0x7A1500, v1;
	[tilespmem:s30], [sflag:$0x1] =	stream.indirect_vreg.gather [hbm4b:s3+s13], $0x1, v2, vm0, $0x4038;
	[tilespmem:$0x14A00] =	vst v63  }
0x5d: {  	v2 =	vnsel vm1, $0x7FFFFFFF, v43;
	(ifvalue) =	ssetifvalue $0x7FFFFFFF  }
0x5e: {  	s31 =	sadd.s32 $0x2880, s23;
	(ifvalue) =	ssetifvalue $0x7FFFFFFF  }
0x5f: {  	v44 =	vadd.s32 $0x7A1580, v1;
	[tilespmem:s31], [sflag:$0x1] =	stream.indirect_vreg.gather [hbm4b:s3+s13], $0x1, v3, vm0, $0x4038;
	[tilespmem:$0x14A00] =	vst v63  }
0x60: {  	v3 =	vnsel vm1, $0x7FFFFFFF, v44;
	(ifvalue) =	ssetifvalue $0x7FFFFFFF  }
0x61: {  	s24 =	sadd.s32 $0x2900, s23;
	(ifvalue) =	ssetifvalue $0x7FFFFFFF  }
0x62: {  	v45 =	vadd.s32 $0x7A1600, v1;
	[tilespmem:s24], [sflag:$0x1] =	stream.indirect_vreg.gather [hbm4b:s3+s13], $0x1, v2, vm0, $0x4038;
	[tilespmem:$0x14A00] =	vst v63  }
0x63: {  	v2 =	vnsel vm1, $0x7FFFFFFF, v45;
	(ifvalue) =	ssetifvalue $0x7FFFFFFF  }
0x64: {  	s25 =	sadd.s32 $0x2980, s23;
	(ifvalue) =	ssetifvalue $0x7FFFFFFF  }
0x65: {  	v46 =	vadd.s32 $0x7A1680, v1;
	[tilespmem:s25], [sflag:$0x1] =	stream.indirect_vreg.gather [hbm4b:s3+s13], $0x1, v3, vm0, $0x4038;
	[tilespmem:$0x14A00] =	vst v63  }
0x66: {  	v3 =	vnsel vm1, $0x7FFFFFFF, v46;
	(ifvalue) =	ssetifvalue $0x7FFFFFFF  }
0x67: {  	s26 =	sadd.s32 $0x2A00, s23;
	(ifvalue) =	ssetifvalue $0x7FFFFFFF  }
0x68: {  	v47 =	vadd.s32 $0x7A1700, v1;
	[tilespmem:s26], [sflag:$0x1] =	stream.indirect_vreg.gather [hbm4b:s3+s13], $0x1, v2, vm0, $0x4038;
	[tilespmem:$0x14A00] =	vst v63  }
0x69: {  	v2 =	vnsel vm1, $0x7FFFFFFF, v47;
	(ifvalue) =	ssetifvalue $0x7FFFFFFF  }
0x6a: {  	s28 =	sadd.s32 $0x2A80, s23;
	(ifvalue) =	ssetifvalue $0x7FFFFFFF  }
0x6b: {  	v48 =	vadd.s32 $0x7A1780, v1;
	[tilespmem:s28], [sflag:$0x1] =	stream.indirect_vreg.gather [hbm4b:s3+s13], $0x1, v3, vm0, $0x4038;
	[tilespmem:$0x14A00] =	vst v63  }
0x6c: {  	v3 =	vnsel vm1, $0x7FFFFFFF, v48;
	(ifvalue) =	ssetifvalue $0x7FFFFFFF  }
0x6d: {  	s29 =	sadd.s32 $0x2B00, s23;
	(ifvalue) =	ssetifvalue $0x7FFFFFFF  }
0x6e: {  	v49 =	vadd.s32 $0xF42800, v1;
	[tilespmem:s29], [sflag:$0x1] =	stream.indirect_vreg.gather [hbm4b:s3+s13], $0x1, v2, vm0, $0x4038;
	[tilespmem:$0x14A00] =	vst v63  }
0x6f: {  	v2 =	vnsel vm1, $0x7FFFFFFF, v49;
	(ifvalue) =	ssetifvalue $0x7FFFFFFF  }
0x70: {  	s30 =	sadd.s32 $0x2B80, s23;
	(ifvalue) =	ssetifvalue $0x7FFFFFFF  }
0x71: {  	v50 =	vadd.s32 $0xF42880, v1;
	[tilespmem:s30], [sflag:$0x1] =	stream.indirect_vreg.gather [hbm4b:s3+s13], $0x1, v3, vm0, $0x4038;
	[tilespmem:$0x14A00] =	vst v63  }
0x72: {  	v3 =	vnsel vm1, $0x7FFFFFFF, v50;
	(ifvalue) =	ssetifvalue $0x7FFFFFFF  }
0x73: {  	s31 =	sadd.s32 $0x5000, s23;
	(ifvalue) =	ssetifvalue $0x7FFFFFFF  }
0x74: {  	v51 =	vadd.s32 $0xF42900, v1;
	[tilespmem:s31], [sflag:$0x1] =	stream.indirect_vreg.gather [hbm4b:s3+s13], $0x1, v2, vm0, $0x4038;
	[tilespmem:$0x14A00] =	vst v63  }
0x75: {  	v2 =	vnsel vm1, $0x7FFFFFFF, v51;
	(ifvalue) =	ssetifvalue $0x7FFFFFFF  }
0x76: {  	s24 =	sadd.s32 $0x5080, s23;
	(ifvalue) =	ssetifvalue $0x7FFFFFFF  }
0x77: {  	v52 =	vadd.s32 $0xF42980, v1;
	[tilespmem:s24], [sflag:$0x1] =	stream.indirect_vreg.gather [hbm4b:s3+s13], $0x1, v3, vm0, $0x4038;
	[tilespmem:$0x14A00] =	vst v63  }
0x78: {  	v3 =	vnsel vm1, $0x7FFFFFFF, v52;
	(ifvalue) =	ssetifvalue $0x7FFFFFFF  }
0x79: {  	s25 =	sadd.s32 $0x5100, s23;
	(ifvalue) =	ssetifvalue $0x7FFFFFFF  }
0x7a: {  	v53 =	vadd.s32 $0xF42A00, v1;
	[tilespmem:s25], [sflag:$0x1] =	stream.indirect_vreg.gather [hbm4b:s3+s13], $0x1, v2, vm0, $0x4038;
	[tilespmem:$0x14A00] =	vst v63  }
0x7b: {  	v2 =	vnsel vm1, $0x7FFFFFFF, v53;
	(ifvalue) =	ssetifvalue $0x7FFFFFFF  }
0x7c: {  	s26 =	sadd.s32 $0x5180, s23;
	(ifvalue) =	ssetifvalue $0x7FFFFFFF  }
0x7d: {  	v54 =	vadd.s32 $0xF42A80, v1;
	[tilespmem:s26], [sflag:$0x1] =	stream.indirect_vreg.gather [hbm4b:s3+s13], $0x1, v3, vm0, $0x4038;
	[tilespmem:$0x14A00] =	vst v63  }
0x7e: {  	v3 =	vnsel vm1, $0x7FFFFFFF, v54;
	(ifvalue) =	ssetifvalue $0x7FFFFFFF  }
0x7f: {  	s28 =	sadd.s32 $0x5200, s23;
	(ifvalue) =	ssetifvalue $0x7FFFFFFF  }
0x80: {  	v55 =	vadd.s32 $0xF42B00, v1;
	[tilespmem:s28], [sflag:$0x1] =	stream.indirect_vreg.gather [hbm4b:s3+s13], $0x1, v2, vm0, $0x4038;
	[tilespmem:$0x14A00] =	vst v63  }
0x81: {  	v2 =	vnsel vm1, $0x7FFFFFFF, v55;
	(ifvalue) =	ssetifvalue $0x7FFFFFFF  }
0x82: {  	s29 =	sadd.s32 $0x5280, s23;
	(ifvalue) =	ssetifvalue $0x7FFFFFFF  }
0x83: {  	v56 =	vadd.s32 $0xF42B80, v1;
	[tilespmem:s29], [sflag:$0x1] =	stream.indirect_vreg.gather [hbm4b:s3+s13], $0x1, v3, vm0, $0x4038;
	[tilespmem:$0x14A00] =	vst v63  }
0x84: {  	v3 =	vnsel vm1, $0x7FFFFFFF, v56;
	(ifvalue) =	ssetifvalue $0x7FFFFFFF  }
0x85: {  	s30 =	sadd.s32 $0x5300, s23;
	(ifvalue) =	ssetifvalue $0x7FFFFFFF  }
0x86: {  	v57 =	vadd.s32 $0x16E3C00, v1;
	[tilespmem:s30], [sflag:$0x1] =	stream.indirect_vreg.gather [hbm4b:s3+s13], $0x1, v2, vm0, $0x4038;
	[tilespmem:$0x14A00] =	vst v63  }
0x87: {  	v2 =	vnsel vm1, $0x7FFFFFFF, v57;
	(ifvalue) =	ssetifvalue $0x7FFFFFFF  }
0x88: {  	s31 =	sadd.s32 $0x5380, s23;
	(ifvalue) =	ssetifvalue $0x7FFFFFFF  }
0x89: {  	v58 =	vadd.s32 $0x16E3C80, v1;
	[tilespmem:s31], [sflag:$0x1] =	stream.indirect_vreg.gather [hbm4b:s3+s13], $0x1, v3, vm0, $0x4038;
	[tilespmem:$0x14A00] =	vst v63  }
0x8a: {  	v3 =	vnsel vm1, $0x7FFFFFFF, v58;
	(ifvalue) =	ssetifvalue $0x7FFFFFFF  }
0x8b: {  	s24 =	sadd.s32 $0x7800, s23;
	(ifvalue) =	ssetifvalue $0x7FFFFFFF  }
0x8c: {  	v59 =	vadd.s32 $0x16E3D00, v1;
	[tilespmem:s24], [sflag:$0x1] =	stream.indirect_vreg.gather [hbm4b:s3+s13], $0x1, v2, vm0, $0x4038;
	[tilespmem:$0x14A00] =	vst v63  }
0x8d: {  	v2 =	vnsel vm1, $0x7FFFFFFF, v59;
	(ifvalue) =	ssetifvalue $0x7FFFFFFF  }
0x8e: {  	s25 =	sadd.s32 $0x7880, s23;
	(ifvalue) =	ssetifvalue $0x7FFFFFFF  }
0x8f: {  	v60 =	vadd.s32 $0x16E3D80, v1;
	[tilespmem:s25], [sflag:$0x1] =	stream.indirect_vreg.gather [hbm4b:s3+s13], $0x1, v3, vm0, $0x4038;
	[tilespmem:$0x14A00] =	vst v63  }
0x90: {  	v3 =	vnsel vm1, $0x7FFFFFFF, v60;
	(ifvalue) =	ssetifvalue $0x7FFFFFFF  }
0x91: {  	s26 =	sadd.s32 $0x7900, s23;
	(ifvalue) =	ssetifvalue $0x7FFFFFFF  }
0x92: {  	v61 =	vadd.s32 $0x16E3E00, v1;
	[tilespmem:s26], [sflag:$0x1] =	stream.indirect_vreg.gather [hbm4b:s3+s13], $0x1, v2, vm0, $0x4038;
	[tilespmem:$0x14A00] =	vst v63  }
0x93: {  	v2 =	vnsel vm1, $0x7FFFFFFF, v61;
	(ifvalue) =	ssetifvalue $0x7FFFFFFF  }
0x94: {  	s28 =	sadd.s32 $0x7980, s23;
	(ifvalue) =	ssetifvalue $0x7FFFFFFF  }
0x95: {  	v62 =	vadd.s32 $0x16E3E80, v1;
	[tilespmem:s28], [sflag:$0x1] =	stream.indirect_vreg.gather [hbm4b:s3+s13], $0x1, v3, vm0, $0x4038;
	[tilespmem:$0x14A00] =	vst v63  }
0x96: {  	v3 =	vnsel vm1, $0x7FFFFFFF, v62;
	(ifvalue) =	ssetifvalue $0x7FFFFFFF  }
0x97: {  	s29 =	sadd.s32 $0x7A00, s23;
	(ifvalue) =	ssetifvalue $0x7FFFFFFF  }
0x98: {  	v63 =	vadd.s32 $0x16E3F00, v1;
	[tilespmem:s29], [sflag:$0x1] =	stream.indirect_vreg.gather [hbm4b:s3+s13], $0x1, v2, vm0, $0x4038;
	[tilespmem:$0x14A00] =	vst v63  }
0x99: {  	s22 =	sadd.s32 $0xFFFFFFF0, s22;
	s21 =	sadd.s32 $0x10, s21;
	v2 =	vnsel vm1, $0x7FFFFFFF, v63;
	(ifvalue) =	ssetifvalue $0x7FFFFFFF  }
0x9a: {  	s20 =	simm.s32 $0x10;
	s30 =	sadd.s32 $0x7A80, s23;
	(ifvalue) =	ssetifvalue $0x7FFFFFFF  }
0x9b: {  	[tilespmem:s30], [sflag:$0x1] =	stream.indirect_vreg.gather [hbm4b:s3+s13], $0x1, v3, vm0, $0x4038;
	[tilespmem:$0x14A00] =	vst v63  }
0x9c: {  	v1 =	vadd.s32 $0x16E3F80, v1;
	s31 =	sadd.s32 $0x7B00, s23;
	s24 =	simm.s32 $0x0;
	(ifvalue) =	ssetifvalue $0x7FFFFFFF  }
0x9d: {  	v1 =	vnsel vm1, $0x7FFFFFFF, v1;
	s25 =	sadd.s32 $0x7B80, s23;
	s23 =	simm.s32 $0xFFFFD880;
	(ifvalue) =	ssetifvalue $0x7FFFFFFF  }
0x9e: {  	[tilespmem:s31], [sflag:$0x1] =	stream.indirect_vreg.gather [hbm4b:s3+s13], $0x1, v2, vm0, $0x4038;
	[tilespmem:$0x14A00] =	vst v63  }
.LBB2_3:
0x9f: {  	(ifvalue) =	ssetifvalue $0x7FFFFFFF  }
0xa0: {  	s19 =	sadd.s32 $0x80, s19;
	s24 =	sadd.s32 $0x1, s24;
	s26 =	smov.u32 s20  }
0xa1: {  	p1 =	sne.s32 s20, $0x4F0;
	s20 =	sadd.s32 $0x10, s20;
	(ifvalue) =	ssetifvalue $0x7FFFFFFF  }
0xa2: {  	[tilespmem:s25], [sflag:$0x1] =	stream.indirect_vreg.gather [hbm4b:s3+s13], $0x1, v1, vm0, $0x4038;
	[tilespmem:$0x14A00] =	vst v63  }
0xa3: {  	v1 =	vld.msk [tilespmem:s21+$0x0 ss:$0x1], $0xffff;
	_ =	sdelay $0x4  }
0xa4: {  	p2 =	sgt.s32 s22, $0x0;
	s25 =	smov.u32 s22  }
0xa5: {  	s25 =	simm.s32 @!p2 $0x0;
	vm1 =	vgt.s32 v1, $0x0  }
0xa6: {  	s25 =	smin.u32 s25, $0x10;
	v1 =	vnsel vm1, $0x0, v1  }
0xa7: {  	v2 =	vmov s25;
	v1 =	vmin.u32 v1, $0xF423F  }
0xa8: {  	vm1 =	vgt.u32 v2, v0;
	v3 =	vshll.u32 v1, $0x3  }
0xa9: {  	v1 =	vand.u32 $0x7F, v1;
	v2 =	vand.u32 $0x7FFC00, v3  }
0xaa: {  	s25 =	sadd.s32 $0x2800, s23;
	v1 =	vor.u32 v1, v2  }
0xab: {  	s25 =	sand.u32 $0x3C00, s25;
	v2 =	vnsel vm1, $0x7FFFFFFF, v1;
	v3 =	vor.u32 $0x80, v1;
	v4 =	vor.u32 $0x100, v1  }
0xac: {  	s26 =	sand.u32 $0x70, s26;
	s25 =	sadd.s32 s25, s18;
	v5 =	vor.u32 $0x180, v1;
	v3 =	vnsel vm1, $0x7FFFFFFF, v3;
	v4 =	vnsel vm1, $0x7FFFFFFF, v4;
	(ifvalue) =	ssetifvalue $0x7FFFFFFF  }
0xad: {  	s25 =	sadd.s32 s26, s25;
	v6 =	vor.u32 $0x200, v1;
	v7 =	vor.u32 $0x280, v1;
	v5 =	vnsel vm1, $0x7FFFFFFF, v5;
	(ifvalue) =	ssetifvalue $0x7FFFFFFF  }
0xae: {  	v6 =	vnsel vm1, $0x7FFFFFFF, v6;
	v8 =	vnsel vm1, $0x7FFFFFFF, v7;
	v7 =	vor.u32 $0x300, v1  }
0xaf: {  	v9 =	vadd.s32 $0x7A1400, v1;
	v17 =	vnsel vm1, $0x7FFFFFFF, v7;
	v7 =	vor.u32 $0x380, v1  }
0xb0: {  	v19 =	vnsel vm1, $0x7FFFFFFF, v9;
	v18 =	vnsel vm1, $0x7FFFFFFF, v7;
	[tilespmem:s25], [sflag:$0x1] =	stream.indirect_vreg.gather [hbm4b:s3+s13], $0x1, v2, vm0, $0x4038;
	v2 =	vadd.s32 $0x7A1480, v1;
	[tilespmem:$0x14A00] =	vst v63  }
0xb1: {  	(ifvalue) =	ssetifvalue $0x7FFFFFFF;
	v20 =	vnsel vm1, $0x7FFFFFFF, v2;
	v2 =	vadd.s32 $0x7A1500, v1  }
0xb2: {  	s26 =	sadd.s32 $0x80, s25;
	(ifvalue) =	ssetifvalue $0x7FFFFFFF;
	v21 =	vnsel vm1, $0x7FFFFFFF, v2;
	v2 =	vadd.s32 $0x7A1580, v1  }
0xb3: {  	[tilespmem:s26], [sflag:$0x1] =	stream.indirect_vreg.gather [hbm4b:s3+s13], $0x1, v3, vm0, $0x4038;
	v22 =	vnsel vm1, $0x7FFFFFFF, v2;
	v2 =	vadd.s32 $0x7A1600, v1;
	[tilespmem:$0x14A00] =	vst v63  }
0xb4: {  	v3 =	vadd.s32 $0x7A1680, v1;
	v23 =	vnsel vm1, $0x7FFFFFFF, v2;
	v2 =	vadd.s32 $0x7A1700, v1  }
0xb5: {  	(ifvalue) =	ssetifvalue $0x7FFFFFFF;
	v24 =	vnsel vm1, $0x7FFFFFFF, v3;
	v3 =	vadd.s32 $0xF42880, v1;
	v25 =	vnsel vm1, $0x7FFFFFFF, v2  }
0xb6: {  	s26 =	sadd.s32 $0x100, s25;
	(ifvalue) =	ssetifvalue $0x7FFFFFFF;
	v2 =	vadd.s32 $0x7A1780, v1;
	v15 =	vnsel vm1, $0x7FFFFFFF, v3;
	v3 =	vadd.s32 $0xF42A00, v1  }
0xb7: {  	[tilespmem:s26], [sflag:$0x1] =	stream.indirect_vreg.gather [hbm4b:s3+s13], $0x1, v4, vm0, $0x4038;
	v26 =	vnsel vm1, $0x7FFFFFFF, v2;
	v2 =	vadd.s32 $0xF42800, v1;
	[tilespmem:$0x14A00] =	vst v63  }
0xb8: {  	s26 =	sadd.s32 $0x180, s25;
	(ifvalue) =	ssetifvalue $0x7FFFFFFF;
	v16 =	vnsel vm1, $0x7FFFFFFF, v2;
	v2 =	vadd.s32 $0xF42900, v1  }
0xb9: {  	v4 =	vadd.s32 $0xF42A80, v1;
	(ifvalue) =	ssetifvalue $0x7FFFFFFF;
	v13 =	vnsel vm1, $0x7FFFFFFF, v2  }
0xba: {  	v12 =	vnsel vm1, $0x7FFFFFFF, v3;
	v2 =	vadd.s32 $0xF42980, v1;
	[tilespmem:s26], [sflag:$0x1] =	stream.indirect_vreg.gather [hbm4b:s3+s13], $0x1, v5, vm0, $0x4038;
	[tilespmem:$0x14A00] =	vst v63  }
0xbb: {  	v3 =	vadd.s32 $0x16E3C00, v1;
	v10 =	vnsel vm1, $0x7FFFFFFF, v4;
	v14 =	vnsel vm1, $0x7FFFFFFF, v2;
	(ifvalue) =	ssetifvalue $0x7FFFFFFF  }
0xbc: {  	s28 =	sadd.s32 $0x280, s25;
	s26 =	sadd.s32 $0x200, s25;
	v2 =	vadd.s32 $0xF42B00, v1;
	(ifvalue) =	ssetifvalue $0x7FFFFFFF  }
0xbd: {  	v7 =	vnsel vm1, $0x7FFFFFFF, v3;
	v11 =	vnsel vm1, $0x7FFFFFFF, v2;
	v2 =	vadd.s32 $0xF42B80, v1;
	[tilespmem:s26], [sflag:$0x1] =	stream.indirect_vreg.gather [hbm4b:s3+s13], $0x1, v6, vm0, $0x4038;
	[tilespmem:$0x14A00] =	vst v63  }
0xbe: {  	v3 =	vadd.s32 $0x16E3D80, v1;
	v9 =	vnsel vm1, $0x7FFFFFFF, v2;
	v2 =	vadd.s32 $0x16E3C80, v1;
	(ifvalue) =	ssetifvalue $0x7FFFFFFF  }
0xbf: {  	v4 =	vadd.s32 $0x16E3E00, v1;
	s26 =	sand.u32 $0x7, s24;
	v6 =	vnsel vm1, $0x7FFFFFFF, v2;
	(ifvalue) =	ssetifvalue $0x7FFFFFFF  }
0xc0: {  	v5 =	vnsel vm1, $0x7FFFFFFF, v3;
	v2 =	vadd.s32 $0x16E3D00, v1;
	[tilespmem:s28], [sflag:$0x1] =	stream.indirect_vreg.gather [hbm4b:s3+s13], $0x1, v8, vm0, $0x4038;
	[tilespmem:$0x14A00] =	vst v63  }
0xc1: {  	v3 =	vnsel vm1, $0x7FFFFFFF, v4;
	s26 =	sshll.u32 s26, $0x4;
	v8 =	vnsel vm1, $0x7FFFFFFF, v2;
	v2 =	vadd.s32 $0x16E3E80, v1;
	(ifvalue) =	ssetifvalue $0x7FFFFFFF  }
0xc2: {  	s26 =	sadd.s32 s26, s19;
	s28 =	sadd.s32 $0x300, s25;
	v4 =	vnsel vm1, $0x7FFFFFFF, v2;
	(ifvalue) =	ssetifvalue $0x7FFFFFFF  }
0xc3: {  	v2 =	vadd.s32 $0x16E3F00, v1;
	v1 =	vadd.s32 $0x16E3F80, v1;
	[tilespmem:s28], [sflag:$0x1] =	stream.indirect_vreg.gather [hbm4b:s3+s13], $0x1, v17, vm0, $0x4038;
	[tilespmem:$0x14A00] =	vst v63  }
0xc4: {  	s26 =	sor.u32 $0x380, s26;
	v2 =	vnsel vm1, $0x7FFFFFFF, v2;
	v1 =	vnsel vm1, $0x7FFFFFFF, v1;
	(ifvalue) =	ssetifvalue $0x7FFFFFFF  }
0xc5: {  	s26 =	sadd.s32 s26, s18;
	(ifvalue) =	ssetifvalue $0x7FFFFFFF  }
0xc6: {  	[tilespmem:s26], [sflag:$0x1] =	stream.indirect_vreg.gather [hbm4b:s3+s13], $0x1, v18, vm0, $0x4038;
	[tilespmem:$0x14A00] =	vst v63  }
0xc7: {  	(ifvalue) =	ssetifvalue $0x7FFFFFFF  }
0xc8: {  	s26 =	sadd.s32 $0x2800, s25;
	(ifvalue) =	ssetifvalue $0x7FFFFFFF  }
0xc9: {  	[tilespmem:s26], [sflag:$0x1] =	stream.indirect_vreg.gather [hbm4b:s3+s13], $0x1, v19, vm0, $0x4038;
	[tilespmem:$0x14A00] =	vst v63  }
0xca: {  	(ifvalue) =	ssetifvalue $0x7FFFFFFF  }
0xcb: {  	s26 =	sadd.s32 $0x2880, s25;
	(ifvalue) =	ssetifvalue $0x7FFFFFFF  }
0xcc: {  	[tilespmem:s26], [sflag:$0x1] =	stream.indirect_vreg.gather [hbm4b:s3+s13], $0x1, v20, vm0, $0x4038;
	[tilespmem:$0x14A00] =	vst v63  }
0xcd: {  	(ifvalue) =	ssetifvalue $0x7FFFFFFF  }
0xce: {  	s28 =	sadd.s32 $0x2980, s25;
	s26 =	sadd.s32 $0x2900, s25;
	(ifvalue) =	ssetifvalue $0x7FFFFFFF  }
0xcf: {  	[tilespmem:s26], [sflag:$0x1] =	stream.indirect_vreg.gather [hbm4b:s3+s13], $0x1, v21, vm0, $0x4038;
	[tilespmem:$0x14A00] =	vst v63  }
0xd0: {  	(ifvalue) =	ssetifvalue $0x7FFFFFFF  }
0xd1: {  	s26 =	sadd.s32 $0x2A00, s25;
	(ifvalue) =	ssetifvalue $0x7FFFFFFF  }
0xd2: {  	[tilespmem:s28], [sflag:$0x1] =	stream.indirect_vreg.gather [hbm4b:s3+s13], $0x1, v22, vm0, $0x4038;
	[tilespmem:$0x14A00] =	vst v63  }
0xd3: {  	(ifvalue) =	ssetifvalue $0x7FFFFFFF  }
0xd4: {  	s28 =	sadd.s32 $0x2A80, s25;
	(ifvalue) =	ssetifvalue $0x7FFFFFFF  }
0xd5: {  	[tilespmem:s26], [sflag:$0x1] =	stream.indirect_vreg.gather [hbm4b:s3+s13], $0x1, v23, vm0, $0x4038;
	[tilespmem:$0x14A00] =	vst v63  }
0xd6: {  	(ifvalue) =	ssetifvalue $0x7FFFFFFF  }
0xd7: {  	s26 =	sadd.s32 $0x2B00, s25;
	(ifvalue) =	ssetifvalue $0x7FFFFFFF  }
0xd8: {  	[tilespmem:s28], [sflag:$0x1] =	stream.indirect_vreg.gather [hbm4b:s3+s13], $0x1, v24, vm0, $0x4038;
	[tilespmem:$0x14A00] =	vst v63  }
0xd9: {  	(ifvalue) =	ssetifvalue $0x7FFFFFFF  }
0xda: {  	s28 =	sadd.s32 $0x2B80, s25;
	(ifvalue) =	ssetifvalue $0x7FFFFFFF  }
0xdb: {  	[tilespmem:s26], [sflag:$0x1] =	stream.indirect_vreg.gather [hbm4b:s3+s13], $0x1, v25, vm0, $0x4038;
	[tilespmem:$0x14A00] =	vst v63  }
0xdc: {  	(ifvalue) =	ssetifvalue $0x7FFFFFFF  }
0xdd: {  	s26 =	sadd.s32 $0x5000, s25;
	(ifvalue) =	ssetifvalue $0x7FFFFFFF  }
0xde: {  	[tilespmem:s28], [sflag:$0x1] =	stream.indirect_vreg.gather [hbm4b:s3+s13], $0x1, v26, vm0, $0x4038;
	[tilespmem:$0x14A00] =	vst v63  }
0xdf: {  	(ifvalue) =	ssetifvalue $0x7FFFFFFF  }
0xe0: {  	s28 =	sadd.s32 $0x5080, s25;
	(ifvalue) =	ssetifvalue $0x7FFFFFFF  }
0xe1: {  	[tilespmem:s26], [sflag:$0x1] =	stream.indirect_vreg.gather [hbm4b:s3+s13], $0x1, v16, vm0, $0x4038;
	[tilespmem:$0x14A00] =	vst v63  }
0xe2: {  	(ifvalue) =	ssetifvalue $0x7FFFFFFF  }
0xe3: {  	s26 =	sadd.s32 $0x5100, s25;
	(ifvalue) =	ssetifvalue $0x7FFFFFFF  }
0xe4: {  	[tilespmem:s28], [sflag:$0x1] =	stream.indirect_vreg.gather [hbm4b:s3+s13], $0x1, v15, vm0, $0x4038;
	[tilespmem:$0x14A00] =	vst v63  }
0xe5: {  	(ifvalue) =	ssetifvalue $0x7FFFFFFF  }
0xe6: {  	s28 =	sadd.s32 $0x5180, s25;
	(ifvalue) =	ssetifvalue $0x7FFFFFFF  }
0xe7: {  	[tilespmem:s26], [sflag:$0x1] =	stream.indirect_vreg.gather [hbm4b:s3+s13], $0x1, v13, vm0, $0x4038;
	[tilespmem:$0x14A00] =	vst v63  }
0xe8: {  	(ifvalue) =	ssetifvalue $0x7FFFFFFF  }
0xe9: {  	s26 =	sadd.s32 $0x5200, s25;
	(ifvalue) =	ssetifvalue $0x7FFFFFFF  }
0xea: {  	[tilespmem:s28], [sflag:$0x1] =	stream.indirect_vreg.gather [hbm4b:s3+s13], $0x1, v14, vm0, $0x4038;
	[tilespmem:$0x14A00] =	vst v63  }
0xeb: {  	(ifvalue) =	ssetifvalue $0x7FFFFFFF  }
0xec: {  	s28 =	sadd.s32 $0x5280, s25;
	(ifvalue) =	ssetifvalue $0x7FFFFFFF  }
0xed: {  	[tilespmem:s26], [sflag:$0x1] =	stream.indirect_vreg.gather [hbm4b:s3+s13], $0x1, v12, vm0, $0x4038;
	[tilespmem:$0x14A00] =	vst v63  }
0xee: {  	(ifvalue) =	ssetifvalue $0x7FFFFFFF  }
0xef: {  	s26 =	sadd.s32 $0x5300, s25;
	(ifvalue) =	ssetifvalue $0x7FFFFFFF  }
0xf0: {  	[tilespmem:s28], [sflag:$0x1] =	stream.indirect_vreg.gather [hbm4b:s3+s13], $0x1, v10, vm0, $0x4038;
	[tilespmem:$0x14A00] =	vst v63  }
0xf1: {  	(ifvalue) =	ssetifvalue $0x7FFFFFFF  }
0xf2: {  	s28 =	sadd.s32 $0x5380, s25;
	(ifvalue) =	ssetifvalue $0x7FFFFFFF  }
0xf3: {  	[tilespmem:s26], [sflag:$0x1] =	stream.indirect_vreg.gather [hbm4b:s3+s13], $0x1, v11, vm0, $0x4038;
	[tilespmem:$0x14A00] =	vst v63  }
0xf4: {  	(ifvalue) =	ssetifvalue $0x7FFFFFFF  }
0xf5: {  	s26 =	sadd.s32 $0x7800, s25;
	(ifvalue) =	ssetifvalue $0x7FFFFFFF  }
0xf6: {  	[tilespmem:s28], [sflag:$0x1] =	stream.indirect_vreg.gather [hbm4b:s3+s13], $0x1, v9, vm0, $0x4038;
	[tilespmem:$0x14A00] =	vst v63  }
0xf7: {  	(ifvalue) =	ssetifvalue $0x7FFFFFFF  }
0xf8: {  	s28 =	sadd.s32 $0x7880, s25;
	(ifvalue) =	ssetifvalue $0x7FFFFFFF  }
0xf9: {  	[tilespmem:s26], [sflag:$0x1] =	stream.indirect_vreg.gather [hbm4b:s3+s13], $0x1, v7, vm0, $0x4038;
	[tilespmem:$0x14A00] =	vst v63  }
0xfa: {  	(ifvalue) =	ssetifvalue $0x7FFFFFFF  }
0xfb: {  	s26 =	sadd.s32 $0x7900, s25;
	(ifvalue) =	ssetifvalue $0x7FFFFFFF  }
0xfc: {  	[tilespmem:s28], [sflag:$0x1] =	stream.indirect_vreg.gather [hbm4b:s3+s13], $0x1, v6, vm0, $0x4038;
	[tilespmem:$0x14A00] =	vst v63  }
0xfd: {  	(ifvalue) =	ssetifvalue $0x7FFFFFFF  }
0xfe: {  	s28 =	sadd.s32 $0x7980, s25;
	(ifvalue) =	ssetifvalue $0x7FFFFFFF  }
0xff: {  	[tilespmem:s26], [sflag:$0x1] =	stream.indirect_vreg.gather [hbm4b:s3+s13], $0x1, v8, vm0, $0x4038;
	[tilespmem:$0x14A00] =	vst v63  }
0x100: {  	(ifvalue) =	ssetifvalue $0x7FFFFFFF  }
0x101: {  	s26 =	sadd.s32 $0x7A00, s25;
	(ifvalue) =	ssetifvalue $0x7FFFFFFF  }
0x102: {  	[tilespmem:s28], [sflag:$0x1] =	stream.indirect_vreg.gather [hbm4b:s3+s13], $0x1, v5, vm0, $0x4038;
	[tilespmem:$0x14A00] =	vst v63  }
0x103: {  	(ifvalue) =	ssetifvalue $0x7FFFFFFF  }
0x104: {  	s28 =	sadd.s32 $0x7A80, s25;
	(ifvalue) =	ssetifvalue $0x7FFFFFFF  }
0x105: {  	[tilespmem:s26], [sflag:$0x1] =	stream.indirect_vreg.gather [hbm4b:s3+s13], $0x1, v3, vm0, $0x4038;
	[tilespmem:$0x14A00] =	vst v63  }
0x106: {  	(ifvalue) =	ssetifvalue $0x7FFFFFFF  }
.Ltmp3:
0x107: {  	s26 =	sadd.s32 $0x7B00, s25;
	(ifvalue) =	ssetifvalue $0x7FFFFFFF;
	(pc) =	sbr.rel @p1 .LBB2_3-.Ltmp3, $4  }
0x108: {  	[tilespmem:s28], [sflag:$0x1] =	stream.indirect_vreg.gather [hbm4b:s3+s13], $0x1, v4, vm0, $0x4038;
	[tilespmem:$0x14A00] =	vst v63  }
0x109: {  	s22 =	sadd.s32 $0xFFFFFFF0, s22;
	s21 =	sadd.s32 $0x10, s21;
	(ifvalue) =	ssetifvalue $0x7FFFFFFF  }
0x10a: {  	s23 =	sadd.s32 $0x80, s23;
	s25 =	sadd.s32 $0x7B80, s25;
	(ifvalue) =	ssetifvalue $0x7FFFFFFF  }
0x10b: {  	[tilespmem:s26], [sflag:$0x1] =	stream.indirect_vreg.gather [hbm4b:s3+s13], $0x1, v2, vm0, $0x4038;
	[tilespmem:$0x14A00] =	vst v63  }
.Ltmp4:
0x10c: {  	_ = 	snop;
	(pc) =	sbr.rel .LBB2_4-.Ltmp4, $1  }
0x10d: {  	_ =	sdelay $0x3  }
.LBB2_6:
0x10e: {  	_ =	sfence.sel $0x180000  }
0x10f: {  	s2 =	simm.s32 $0x2;
	[bflag:$0x0] =	sbarrier.arrive $0xFFFF  }
0x110: {  	s30 =	simm.s32 $0x3;
	[sflag:s2] =	ssyncpa.u1 $0x1  }
0x111: {  	s31 =	simm.s32 $0x1;
	[sflag:s30] =	ssyncpa.u1 $0x1  }
0x112: {  	[sflag:s31] =	ssyncpa.u1 $0x1  }
0x113: {  	p0 =	sne.s32 s0, $0x0;
	_ =	strace $0x90000047  }
0x114: {  	s0 =	sadd.s32 @!p0 $0x100000, s1;
	[bflag:$0x2] =	sbarrier.arrive $0xFFFF  }
0x115: {  	[sflag:s0] =	ssyncadd.tile.s32 @!p0 $0x1;
	_ =	shalt  }
.Lfunc_end2:
_tile_overlayer_lowered:
.L_overlay_start_2:
0x116: {  	(tag) =	ssettag $0x2  }
0x117: {  	s0 =	rddreg [dreg:$0x0];
	s2 =	stileid.u32  }
0x118: {  	s1 =	rddreg [dreg:$0x1];
	p0 =	sne.s32 s2, $0x0  }
0x119: {  	s3 =	rddreg [dreg:$0x2];
	[bflag:$0x3] =	sbarrier.arrive $0xFFFF;
	s2 =	simm.s32 @!p0 $0x1C01  }
0x11a: {  	[timem:s3], [sflag:s2] =	dma.local @!p0 [hbm:s0], s1  }
0x11b: {  	s0 =	simm.s32 @!p0 $0x1  }
0x11c: {  	_ =	swait.ge @!p0 [sflag:s0], s1  }
0x11d: {  	s1 =	ssub.s32 @!p0 $0x0, s1;
	[sflag:s0] =	ssyncset.done @!p0 $0x0  }
0x11e: {  	[sflag:s0] =	ssyncadd.s32 @!p0 s1  }
0x11f: {  	[bflag:$0x3] =	sbarrier.arrive $0xFFFF  }
0x120: {  	_ =	shalt  }

// kernel: kernel.3.cloned.1.call-start
scs
__scs_entry_jumppad:
0x0: {  	(pc) =	sbr.rel $0x88, $3  }
0x1: {  	(tag) =	ssettag $0x0;
	lr =	simm.s32 $0x1  }
0x2: {  	[smem:$0x3F9F] =	sst lr;
	_ =	strace $0xD0000000  }
0x3: {  	_ = 	snop  }
0x4: {  	_ = 	snop  }
0x5: {  	_ = 	snop  }
0x6: {  	_ = 	snop  }
0x7: {  	_ = 	snop  }
__scs_overlays_trampoline_lowered:
0x8: {  	[smem:$0x3FAE] =	sst s0  }
0x9: {  	[smem:$0x3FAF] =	sst s1  }
0xa: {  	[smem:$0x3FB0] =	sst s2  }
0xb: {  	[smem:$0x3FB1] =	sst s3  }
0xc: {  	[smem:$0x3FB2] =	sst s4  }
0xd: {  	[smem:$0x3FB3] =	sst s5  }
0xe: {  	[smem:$0x3FB4] =	sst s6  }
0xf: {  	[smem:$0x3FB5] =	sst s7  }
0x10: {  	[smem:$0x3FB6] =	sst s8  }
0x11: {  	[smem:$0x3FB7] =	sst s9;
	s0 =	simm.s32 @!p0 $0x0  }
0x12: {  	s1 =	sld [smem:$0x3F9D];
	s0 =	simm.s32 @p0 $0x1  }
0x13: {  	[smem:$0x3FB8] =	sst s0;
	s0 =	simm.s32 @!p1 $0x0  }
0x14: {  	s2 =	sld [smem:$0x3F9C];
	s0 =	simm.s32 @p1 $0x1  }
0x15: {  	[smem:$0x3FB9] =	sst s0;
	s0 =	simm.s32 @!p2 $0x0  }
0x16: {  	s3 =	sld [smem:$0x3FDB];
	s0 =	simm.s32 @p2 $0x1  }
0x17: {  	s4 =	simm.s32 $0x1BF5;
	[smem:$0x3FBB] =	sst s0  }
0x18: {  	s0 =	sld [smem:$0x3F9E];
	_ =	swait.ge [sflag:s4], $0x0  }
0x19: {  	s7 =	sld [smem:$0x3F9F]  }
0x1a: {  	s8 =	sadd.s32 $0xFFFFE003, lr  }
0x1b: {  	s9 =	sadd.s32 $0xFFFFFEF7, lr;
	s5 =	simm.s32 $0xFFFFFFFF;
	p2 =	slt.u32 s8, $0xFFFFF086  }
0x1c: {  	p1 =	slt.u32 s9, $0xF7A;
	s5 =	simm.s32 @!p2 $0x0  }
0x1d: {  	s5 =	simm.s32 @p1 $0x1;
	p0 =	seq.s32 s7, s2  }
0x1e: {  	s7 =	smul.u32 @!p0 $0xF7A, s2;
	p2 =	seq.s32 @!p0 s5, $0x0  }
0x1f: {  	s9 =	smul.u32 $0xF7A, s1;
	s8 =	simm.s32 @!p0 $0x1BF5;
	p2 =	por !p2, p0  }
0x20: {  	[sflag:s8] =	ssyncset.s32 @!p0 $0xFFFFF086;
	s6 =	sadd.s32 @!p0 s3, s7;
	s7 =	simm.s32 @!p0 $0x108  }
0x21: {  	s3 =	sadd.s32 s3, s9;
	s6 =	sadd.s32 @!p0 $0x88, s6;
	s7 =	simm.s32 @p2 $0x1082  }
0x22: {  	[simem:s7], [sflag:s8] =	dma.local @!p0 [hbm:s6], $0xF7A  }
0x23: {  	s9 =	sor.u32 $0xD0000000, s2;
	s6 =	simm.s32 $0x108;
	_ =	swait.ge @!p0 [sflag:s8], $0x0  }
0x24: {  	s3 =	sadd.s32 $0x88, s3;
	s6 =	simm.s32 @!p1 $0x1082;
	[sflag:s4] =	ssyncset.s32 $0xFFFFF086  }
0x25: {  	[simem:s6], [sflag:s4] =	dma.local [hbm:s3], $0xF7A  }
0x26: {  	[smem:$0x3F9F] =	sst s1;
	(tag) =	ssettag s2;
	_ =	strace s9  }
0x27: {  	s1 =	sld [smem:$0x3FAF]  }
0x28: {  	s2 =	sld [smem:$0x3FB0]  }
0x29: {  	s4 =	sld [smem:$0x3FB2]  }
0x2a: {  	p0 =	seq.s32 s5, $0x0;
	s5 =	sld [smem:$0x3FB3]  }
0x2b: {  	s6 =	sld [smem:$0x3FB4]  }
0x2c: {  	s7 =	sld [smem:$0x3FB5]  }
0x2d: {  	s3 =	simm.s32 $0x108;
	s8 =	sld [smem:$0x3FB6]  }
0x2e: {  	s3 =	simm.s32 @!p0 $0x1082;
	s9 =	sld [smem:$0x3FB7]  }
0x2f: {  	lr =	sadd.s32 s0, s3;
	s0 =	sld [smem:$0x3FAE]  }
0x30: {  	s3 =	sld [smem:$0x3FB1]  }
0x31: {  	[smem:$0x3FBA] =	sst s10  }
0x32: {  	s10 =	sld [smem:$0x3FB8];
	_ =	sdelay $0x3  }
0x33: {  	p0 =	seq.s32 s10, $0x1;
	s10 =	sld [smem:$0x3FBA];
	_ =	sdelay $0x3  }
0x34: {  	[smem:$0x3FBA] =	sst s10  }
0x35: {  	s10 =	sld [smem:$0x3FB9];
	_ =	sdelay $0x3  }
0x36: {  	p1 =	seq.s32 s10, $0x1;
	s10 =	sld [smem:$0x3FBA];
	_ =	sdelay $0x3  }
0x37: {  	[smem:$0x3FBA] =	sst s10  }
0x38: {  	s10 =	sld [smem:$0x3FBB]  }
0x39: {  	_ = 	snop;
	(pc) =	sbr.ind lr, $3  }
0x3a: {  	_ = 	snop  }
0x3b: {  	_ = 	snop  }
0x3c: {  	p2 =	seq.s32 s10, $0x1;
	s10 =	sld [smem:$0x3FBA]  }
0x3d: {  	_ =	shalt  }
0x3e: {  	_ =	shalt  }
0x3f: {  	_ =	shalt  }
0x40: {  	_ =	shalt  }
0x41: {  	_ =	shalt  }
0x42: {  	_ =	shalt  }
0x43: {  	_ =	shalt  }
0x44: {  	_ =	shalt  }
0x45: {  	_ =	shalt  }
0x46: {  	_ =	shalt  }
0x47: {  	_ =	shalt  }
0x48: {  	_ =	shalt  }
0x49: {  	_ =	shalt  }
0x4a: {  	_ =	shalt  }
0x4b: {  	_ =	shalt  }
0x4c: {  	_ =	shalt  }
0x4d: {  	_ =	shalt  }
0x4e: {  	_ =	shalt  }
0x4f: {  	_ =	shalt  }
0x50: {  	_ =	shalt  }
0x51: {  	_ =	shalt  }
0x52: {  	_ =	shalt  }
0x53: {  	_ =	shalt  }
0x54: {  	_ =	shalt  }
0x55: {  	_ =	shalt  }
0x56: {  	_ =	shalt  }
0x57: {  	_ =	shalt  }
0x58: {  	_ =	shalt  }
0x59: {  	_ =	shalt  }
0x5a: {  	_ =	shalt  }
0x5b: {  	_ =	shalt  }
0x5c: {  	_ =	shalt  }
0x5d: {  	_ =	shalt  }
0x5e: {  	_ =	shalt  }
0x5f: {  	_ =	shalt  }
0x60: {  	_ =	shalt  }
0x61: {  	_ =	shalt  }
0x62: {  	_ =	shalt  }
0x63: {  	_ =	shalt  }
0x64: {  	_ =	shalt  }
0x65: {  	_ =	shalt  }
0x66: {  	_ =	shalt  }
0x67: {  	_ =	shalt  }
0x68: {  	_ =	shalt  }
0x69: {  	_ =	shalt  }
0x6a: {  	_ =	shalt  }
0x6b: {  	_ =	shalt  }
0x6c: {  	_ =	shalt  }
0x6d: {  	_ =	shalt  }
0x6e: {  	_ =	shalt  }
0x6f: {  	_ =	shalt  }
0x70: {  	_ =	shalt  }
0x71: {  	_ =	shalt  }
0x72: {  	_ =	shalt  }
0x73: {  	_ =	shalt  }
0x74: {  	_ =	shalt  }
0x75: {  	_ =	shalt  }
0x76: {  	_ =	shalt  }
0x77: {  	_ =	shalt  }
0x78: {  	_ =	shalt  }
0x79: {  	_ =	shalt  }
0x7a: {  	_ =	shalt  }
0x7b: {  	_ =	shalt  }
0x7c: {  	_ =	shalt  }
0x7d: {  	_ =	shalt  }
0x7e: {  	_ =	shalt  }
0x7f: {  	_ =	shalt  }
0x80: {  	_ =	shalt  }
0x81: {  	_ =	shalt  }
0x82: {  	_ =	shalt  }
0x83: {  	_ =	shalt  }
0x84: {  	_ =	shalt  }
0x85: {  	_ =	shalt  }
0x86: {  	_ =	shalt  }
0x87: {  	_ =	shalt  }
.Lfunc_end0:
.L_simem_size_0:
called_computation.3_lowered:
.L_overlay_start_0:
0x88: {  	s2 =	sld [smem:$0x3FD9]  }
0x89: {  	s3 =	sld [smem:$0x3FFE];
	_ =	sdelay $0x1  }
0x8a: {  	s1 =	srdreg.scid  }
0x8b: {  	s0 =	sand.u32 $0x1, s1  }
0x8c: {  	s17 =	sshll.u32 s0, $0xA;
	s2 =	sadd.s32 s3, s2  }
0x8d: {  	s2 =	sadd.s32 s2, s17  }
0x8e: {  	[smem:$0x3FC6] =	sst s2  }
0x8f: {  	_ = 	snop  }
0x90: {  	s18 =	sld [smem:$0x3FD0];
	(tm) =	ssettm $0x1  }
0x91: {  	s19 =	sld [smem:$0x3FFB];
	_ =	sdelay $0x3  }
0x92: {  	_ =	strace s19  }
0x93: {  	s2 =	sld [smem:$0x3FFC];
	_ =	sdelay $0x3  }
0x94: {  	_ =	strace s2  }
0x95: {  	s2 =	sld [smem:$0x3FFD];
	_ =	sdelay $0x3  }
0x96: {  	_ =	strace s2  }
0x97: {  	_ =	strace $0x8FFFFFFF  }
0x98: {  	s20 =	sld [smem:$0x3FDB];
	_ =	sdelay $0x1  }
0x99: {  	s4 =	simm.s32 $_scs_section_size  }
0x9a: {  	s5 =	simm.s32 $_size__tile_overlayer_lowered;
	s6 =	simm.s32 $_tile_overlayer_lowered  }
0x9b: {  	s7 =	simm.s32 $0x1BFF;
	s21 =	sshll.u32 s6, $0x1;
	s4 =	sadd.s32 s4, s20  }
0x9c: {  	s22 =	simm.s32 $0x0;
	s5 =	sshll.u32 s5, $0x1;
	s6 =	sadd.s32 s21, s4  }
0x9d: {  	[timem:s22], [sflag:s7] =	dma.local [hbm:s6], s5  }
0x9e: {  	_ =	swait.ge [sflag:s7], s5  }
0x9f: {  	s5 =	ssub.s32 $0x0, s5;
	[sflag:s7] =	ssyncset.done $0x0  }
0xa0: {  	[sflag:s7] =	ssyncadd.s32 s5;
	_ =	sdelay $0x1  }
0xa1: {  	s23 =	simm.s32 $0x1B8B  }
0xa2: {  	_ =	swait.ge [sflag:s23], $0x1  }
0xa3: {  	[sflag:s23] =	ssyncset.done $0x0  }
0xa4: {  	[sflag:s23] =	ssyncadd.s32 $0xFFFFFFFF  }
0xa5: {  	s5 =	sld [smem:$0x0]  }
0xa6: {  	s6 =	sand.u32 $0xFFFFFFFE, s1  }
0xa7: {  	p0 =	sne.s32 s1, s6  }
0xa8: {  	s6 =	sshll.u32 @p0 s6, $0xE  }
0xa9: {  	s6 =	sadd.s32 @p0 $0x11B8D, s6;
	s7 =	sshll.u32 @p0 s5, $0x11  }
0xaa: {  	s6 =	sor.u32 @p0 s7, s6  }
0xab: {  	[sflag:s6] =	ssyncadd.remote.s32 @p0 $0x1;
	_ =	sdelay $0x1  }
0xac: {  	s6 =	simm.s32 @p0 $0x1B8D  }
0xad: {  	_ =	swait.eq @p0 [sflag:s6], $0x1  }
0xae: {  	[sflag:s6] =	ssyncadd.s32 @p0 $0xFFFFFFFF  }
0xaf: {  	s7 =	sshll.u32 @!p0 s1, $0xE  }
0xb0: {  	s7 =	sor.u32 @!p0 $0x4000, s7;
	s6 =	simm.s32 @!p0 $0x1B8D  }
0xb1: {  	s5 =	sshll.u32 @!p0 s5, $0x11;
	s7 =	sadd.s32 @!p0 $0x11B8D, s7;
	_ =	swait.eq @!p0 [sflag:s6], $0x1  }
0xb2: {  	s5 =	sor.u32 @!p0 s5, s7;
	[sflag:s6] =	ssyncadd.s32 @!p0 $0xFFFFFFFF  }
0xb3: {  	s25 =	simm.s32 $0x1B8E;
	s24 =	sld [smem:$0x3FFE];
	[sflag:s5] =	ssyncadd.remote.s32 @!p0 $0x1  }
0xb4: {  	s26 =	simm.s32 $execute0_lowered;
	[smem:$0x3FD2] =	sst s25  }
0xb5: {  	s6 =	sshll.u32 s26, $0x1;
	_ =	strace $0x80000049;
	[dreg:$0x1] =	wrdreg $0xFFFFFFFF  }
0xb6: {  	s28 =	simm.s32 $_size_execute0_lowered;
	s4 =	sadd.s32 s4, s6;
	[dreg:$0x0] =	wrdreg $0x0  }
0xb7: {  	s6 =	sshll.u32 s28, $0x1;
	[dreg:$0x2] =	wrdreg s4  }
0xb8: {  	[dreg:$0x3] =	wrdreg s6  }
0xb9: {  	[dreg:$0x4] =	wrdreg $0xC0  }
0xba: {  	_ =	task [dreg:s22], $0x5FFFF  }
0xbb: {  	[dreg:$0x1] =	wrdreg $0xFFFFFFFF  }
0xbc: {  	[dreg:$0x0] =	wrdreg $0x60  }
0xbd: {  	[dreg:$0x2] =	wrdreg s24  }
0xbe: {  	[dreg:$0x3] =	wrdreg s18  }
0xbf: {  	[dreg:$0x4] =	wrdreg $0xA  }
0xc0: {  	_ =	task.clear_ibuf [dreg:s22], $0x5FFFF;
	_ =	strace $0x90000049  }
0xc1: {  	s29 =	simm.s32 $0xA;
	_ =	strace $0x8000004B  }
0xc2: {  	_ =	swait.ge [sflag:s29], $0x1  }
0xc3: {  	[sflag:s29] =	ssyncadd.s32 $0xFFFFFFFF  }
0xc4: {  	_ =	strace $0x9000004B  }
0xc5: {  	_ =	sfence  }
0xc6: {  	s30 =	sld [smem:$0x0];
	_ =	sdelay $0x2  }
0xc7: {  	s31 =	sshll.u32 s1, $0xD;
	s1 =	sshrl.u32 s1, $0x2  }
0xc8: {  	s4 =	sand.u32 $0x4000, s31;
	s1 =	sadd.s32 s1, s30  }
0xc9: {  	s0 =	sor.u32 s4, s0;
	s1 =	sshll.u32 s1, $0x11  }
0xca: {  	s0 =	sor.u32 s1, s0  }
0xcb: {  	s0 =	sadd.s32 $0x8F2B, s0  }
0xcc: {  	[sflag:s0] =	ssyncadd.remote.s32 $0x1  }
0xcd: {  	_ =	sfence.sel $0xFFFF  }
0xce: {  	[dreg:$0x0] =	wrdreg $0xFFFFFFFF;
	(pc) =	sbr.abs _section_cstart, $3  }
0xcf: {  	[dreg:$0x1] =	wrdreg $0xFFFFFFFF  }
0xd0: {  	_ =	task.clear_ibuf [dreg:s22], $0x2FFFF;
	_ =	strace $0x9FFFFFFF  }
0xd1: {  	(tm) =	ssettm $0x7FFFFFFF  }
tec
execute0_lowered:
.L_overlay_start_1:
0x0: {  	(tag) =	ssettag $0x1  }
0x1: {  	s0 =	rddreg [dreg:$0x0];
	s1 =	srdreg.scid  }
0x2: {  	s11 =	stileid.u32;
	s4 =	rddreg [dreg:$0x1];
	s2 =	simm.s32 $0x0  }
0x3: {  	s28 =	simm.s32 $0x708;
	s29 =	simm.s32 $0xED80;
	s30 =	simm.s32 $0x7D0  }
0x4: {  	s31 =	simm.s32 $0x10680;
	s12 =	simm.s32 $0x960;
	s13 =	simm.s32 $0x13880  }
0x5: {  	s14 =	simm.s32 $0xA28;
	s15 =	simm.s32 $0x15180;
	s16 =	simm.s32 $0xAF0  }
0x6: {  	s17 =	simm.s32 $0x16A80;
	s18 =	simm.s32 $0xBB8;
	s19 =	simm.s32 $0x18380  }
0x7: {  	s20 =	simm.s32 $0x1;
	s21 =	simm.s32 $0x2;
	s10 =	smul.u32 $0x5460, s11  }
0x8: {  	s1 =	sand.u32 $0x1, s1;
	s3 =	sshll.u32 s11, $0x1;
	s23 =	smul.u32 $0xA8C00, s11  }
0x9: {  	[smem:$0x7FF] =	sst s2;
	s8 =	sadd.s32 $0x205000, s0;
	s25 =	smul.u32 $0x54600, s1  }
0xa: {  	s3 =	sor.u32 s1, s3;
	s6 =	ssub.s32 $0x2, s1;
	s1 =	smul.u32 $0x2A30, s1  }
0xb: {  	s11 =	simm.s32 $0xC80;
	_ =	strace $0x8000004A;
	s5 =	smul.u32 $0x2A30, s3  }
0xc: {  	s7 =	smul.u32 $0x15180, s3;
	s9 =	sshrl.u32 s6, $0x1;
	s3 =	sadd.s32 $0x1147400, s0  }
0xd: {  	s4 =	sadd.s32 s23, s4;
	s23 =	simm.s32 $0x0;
	s22 =	ssub.s32 s6, s9  }
0xe: {  	s4 =	sadd.s32 s25, s4;
	s9 =	simm.s32 $0x4;
	s25 =	simm.s32 $0x640  }
0xf: {  	s5 =	sadd.s32 s8, s5;
	s24 =	sshrl.u32 s7, $0x3;
	s0 =	smax.u32 s22, $0x1  }
.Ltmp0:
0x10: {  	s26 =	sadd.s32 $0x1900, s4;
	[dreg:$0x3] =	wrdreg s5;
	(pc) =	sbr.rel .LBB2_1-.Ltmp0, $4  }
0x11: {  	s22 =	simm.s32 $0x3;
	s5 =	sadd.s32 s8, s24;
	[dreg:$0x5] =	wrdreg s0  }
0x12: {  	s8 =	sadd.s32 s10, s8;
	[dreg:$0x6] =	wrdreg s26;
	s10 =	simm.s32 $0xC8  }
0x13: {  	s26 =	simm.s32 $0xD480;
	s0 =	simm.s32 $0x11F80;
	s5 =	sadd.s32 $0xC8, s5  }
0x14: {  	s7 =	sadd.s32 s1, s8;
	s1 =	simm.s32 $0x898;
	[dreg:$0x4] =	wrdreg s5  }
.LBB2_4:
0x15: {  	_ =	swait.ge [sflag:s22], $0xC800  }
0x16: {  	s23 =	sadd.s32 $0x1, s23;
	s4 =	rddreg [dreg:$0x5]  }
0x17: {  	p0 =	sne.s32 s23, s4  }
.Ltmp1:
0x18: {  	_ = 	snop;
	(pc) =	sbr.rel @!p0 .LBB2_5-.Ltmp1, $3  }
0x19: {  	_ =	sdelay $0x1  }
0x1a: {  	[sflag:s22] =	ssyncset.done $0x0  }
0x1b: {  	[sflag:s22] =	ssyncadd.s32 $0xFFFF3800  }
.LBB2_1:
0x1c: {  	s4 =	rddreg [dreg:$0x3]  }
0x1d: {  	[tilespmem:s2], [sflag:$0x4] =	stream.linear.gather [hbm4b:s4+s2], $0x640, $0x38;
	[tilespmem:$0x19C80] =	vst v63  }
0x1e: {  	_ =	swait.ge [sflag:s9], $0x640  }
0x1f: {  	[sflag:s9] =	ssyncset.done $0x0  }
0x20: {  	[sflag:s9] =	ssyncadd.s32 $0xFFFFF9C0  }
0x21: {  	[tilespmem:s11], [sflag:$0x1] =	stream.indirect.gather [hbm4b:s3+s10], $0x20, s2, s10, $0xb8;
	[tilespmem:$0x19C80] =	vst v63  }
0x22: {  	s8 =	simm.s32 $0x2580  }
0x23: {  	[tilespmem:s8], [sflag:$0x1] =	stream.indirect.gather [hbm4b:s3+s10], $0x20, s10, s10, $0xb8;
	[tilespmem:$0x19C80] =	vst v63  }
0x24: {  	s24 =	simm.s32 $0x190;
	s5 =	simm.s32 $0x3E80  }
0x25: {  	[tilespmem:s5], [sflag:$0x1] =	stream.indirect.gather [hbm4b:s3+s10], $0x20, s24, s10, $0xb8;
	[tilespmem:$0x19C80] =	vst v63  }
0x26: {  	s6 =	simm.s32 $0x5780;
	s5 =	simm.s32 $0x258  }
0x27: {  	[tilespmem:s6], [sflag:$0x1] =	stream.indirect.gather [hbm4b:s3+s10], $0x20, s5, s10, $0xb8;
	[tilespmem:$0x19C80] =	vst v63  }
0x28: {  	s8 =	simm.s32 $0x320;
	s24 =	simm.s32 $0x7080  }
0x29: {  	[tilespmem:s24], [sflag:$0x1] =	stream.indirect.gather [hbm4b:s3+s10], $0x20, s8, s10, $0xb8;
	[tilespmem:$0x19C80] =	vst v63  }
0x2a: {  	s5 =	simm.s32 $0x3E8;
	s6 =	simm.s32 $0x8980  }
0x2b: {  	[tilespmem:s6], [sflag:$0x1] =	stream.indirect.gather [hbm4b:s3+s10], $0x20, s5, s10, $0xb8;
	[tilespmem:$0x19C80] =	vst v63  }
0x2c: {  	s8 =	simm.s32 $0x4B0;
	s24 =	simm.s32 $0xA280  }
0x2d: {  	[tilespmem:s24], [sflag:$0x1] =	stream.indirect.gather [hbm4b:s3+s10], $0x20, s8, s10, $0xb8;
	[tilespmem:$0x19C80] =	vst v63  }
0x2e: {  	s6 =	simm.s32 $0x578;
	s8 =	simm.s32 $0xBB80  }
0x2f: {  	[tilespmem:s8], [sflag:$0x1] =	stream.indirect.gather [hbm4b:s3+s10], $0x20, s6, s10, $0xb8;
	[tilespmem:$0x19C80] =	vst v63  }
0x30: {  	s24 =	rddreg [dreg:$0x4]  }
0x31: {  	[tilespmem:s25], [sflag:$0x4] =	stream.linear.gather [hbm4b:s24+s2], $0x640, $0x38;
	[tilespmem:$0x19C80] =	vst v63  }
0x32: {  	_ =	swait.ge [sflag:s9], $0x640  }
0x33: {  	[sflag:s9] =	ssyncset.done $0x0  }
0x34: {  	s4 =	simm.s32 $0x0;
	s8 =	rddreg [dreg:$0x6];
	[sflag:s9] =	ssyncadd.s32 $0xFFFFF9C0  }
.LBB2_2:
0x35: {  	p0 =	seq.s32 s4, $0x0  }
0x36: {  	s5 =	simm.s32 @!p0 $0x3  }
0x37: {  	_ =	swait.ge @!p0 [sflag:s5], $0xC800  }
0x38: {  	[sflag:s5] =	ssyncset.done @!p0 $0x0  }
0x39: {  	[sflag:s5] =	ssyncadd.s32 @!p0 $0xFFFF3800  }
0x3a: {  	[tilespmem:s26], [sflag:$0x2] =	stream.indirect.gather [hbm4b:s3+s10], $0x20, s25, s10, $0xb8;
	[tilespmem:$0x19C80] =	vst v63  }
0x3b: {  	_ = 	snop  }
0x3c: {  	[tilespmem:s29], [sflag:$0x2] =	stream.indirect.gather [hbm4b:s3+s10], $0x20, s28, s10, $0xb8;
	[tilespmem:$0x19C80] =	vst v63  }
0x3d: {  	_ = 	snop  }
0x3e: {  	[tilespmem:s31], [sflag:$0x2] =	stream.indirect.gather [hbm4b:s3+s10], $0x20, s30, s10, $0xb8;
	[tilespmem:$0x19C80] =	vst v63  }
0x3f: {  	_ = 	snop  }
0x40: {  	[tilespmem:s0], [sflag:$0x2] =	stream.indirect.gather [hbm4b:s3+s10], $0x20, s1, s10, $0xb8;
	[tilespmem:$0x19C80] =	vst v63  }
0x41: {  	_ = 	snop  }
0x42: {  	[tilespmem:s13], [sflag:$0x2] =	stream.indirect.gather [hbm4b:s3+s10], $0x20, s12, s10, $0xb8;
	[tilespmem:$0x19C80] =	vst v63  }
0x43: {  	_ = 	snop  }
0x44: {  	[tilespmem:s15], [sflag:$0x2] =	stream.indirect.gather [hbm4b:s3+s10], $0x20, s14, s10, $0xb8;
	[tilespmem:$0x19C80] =	vst v63  }
0x45: {  	_ = 	snop  }
0x46: {  	[tilespmem:s17], [sflag:$0x2] =	stream.indirect.gather [hbm4b:s3+s10], $0x20, s16, s10, $0xb8;
	[tilespmem:$0x19C80] =	vst v63  }
0x47: {  	_ = 	snop  }
0x48: {  	[tilespmem:s19], [sflag:$0x2] =	stream.indirect.gather [hbm4b:s3+s10], $0x20, s18, s10, $0xb8;
	[tilespmem:$0x19C80] =	vst v63  }
0x49: {  	_ =	swait.ge [sflag:s20], $0xC800  }
0x4a: {  	p0 =	seq.s32 s4, $0x28A0;
	[sflag:s20] =	ssyncset.done $0x0  }
0x4b: {  	s24 =	sadd.s32 $0xFFFFE700, s8;
	s5 =	simm.s32 @p0 $0x3;
	[sflag:s20] =	ssyncadd.s32 $0xFFFF3800  }
0x4c: {  	[hbm4b:s24+s2] =	stream.linear.scatter [tilespmem:s11], [sflag:$0x3], $0xC800, $0x38;
	[tilespmem:$0x19C80] =	vst v63  }
0x4d: {  	_ =	swait.ge @p0 [sflag:s5], $0xC800  }
0x4e: {  	s6 =	sadd.s32 @!p0 s4, s7;
	[sflag:s5] =	ssyncset.done @p0 $0x0  }
0x4f: {  	[sflag:s5] =	ssyncadd.s32 @p0 $0xFFFF3800;
	s5 =	sadd.s32 @!p0 $0x190, s6;
	s6 =	simm.s32 @!p0 $0x0  }
0x50: {  	[tilespmem:s6], [sflag:$0x5] =	stream.linear.gather @!p0 [hbm4b:s5+s6], $0x640, $0x38;
	[tilespmem:$0x19C80] =	vst v63  }
0x51: {  	s5 =	simm.s32 @!p0 $0x5  }
0x52: {  	_ =	swait.ge @!p0 [sflag:s5], $0x640  }
0x53: {  	[sflag:s5] =	ssyncset.done @!p0 $0x0  }
0x54: {  	[sflag:s5] =	ssyncadd.s32 @!p0 $0xFFFFF9C0;
	s5 =	simm.s32 @!p0 $0x3  }
0x55: {  	_ =	swait.ge @!p0 [sflag:s5], $0xC800  }
0x56: {  	[sflag:s5] =	ssyncset.done @!p0 $0x0  }
0x57: {  	s24 =	simm.s32 @!p0 $0xC80;
	[sflag:s5] =	ssyncadd.s32 @!p0 $0xFFFF3800;
	s5 =	simm.s32 @!p0 $0xC8  }
0x58: {  	[tilespmem:s24], [sflag:$0x1] =	stream.indirect.gather @!p0 [hbm4b:s3+s5], $0x20, s6, s5, $0xb8;
	[tilespmem:$0x19C80] =	vst v63  }
0x59: {  	s6 =	simm.s32 @!p0 $0x2580  }
0x5a: {  	[tilespmem:s6], [sflag:$0x1] =	stream.indirect.gather @!p0 [hbm4b:s3+s5], $0x20, s5, s5, $0xb8;
	[tilespmem:$0x19C80] =	vst v63  }
0x5b: {  	s24 =	simm.s32 @!p0 $0x3E80;
	s6 =	simm.s32 @!p0 $0x190  }
0x5c: {  	[tilespmem:s24], [sflag:$0x1] =	stream.indirect.gather @!p0 [hbm4b:s3+s5], $0x20, s6, s5, $0xb8;
	[tilespmem:$0x19C80] =	vst v63  }
0x5d: {  	s6 =	simm.s32 @!p0 $0x258;
	s24 =	simm.s32 @!p0 $0x5780  }
0x5e: {  	[tilespmem:s24], [sflag:$0x1] =	stream.indirect.gather @!p0 [hbm4b:s3+s5], $0x20, s6, s5, $0xb8;
	[tilespmem:$0x19C80] =	vst v63  }
0x5f: {  	s6 =	simm.s32 @!p0 $0x320;
	s24 =	simm.s32 @!p0 $0x7080  }
0x60: {  	[tilespmem:s24], [sflag:$0x1] =	stream.indirect.gather @!p0 [hbm4b:s3+s5], $0x20, s6, s5, $0xb8;
	[tilespmem:$0x19C80] =	vst v63  }
0x61: {  	s6 =	simm.s32 @!p0 $0x3E8;
	s24 =	simm.s32 @!p0 $0x8980  }
0x62: {  	[tilespmem:s24], [sflag:$0x1] =	stream.indirect.gather @!p0 [hbm4b:s3+s5], $0x20, s6, s5, $0xb8;
	[tilespmem:$0x19C80] =	vst v63  }
0x63: {  	s6 =	simm.s32 @!p0 $0x4B0;
	s24 =	simm.s32 @!p0 $0xA280  }
0x64: {  	[tilespmem:s24], [sflag:$0x1] =	stream.indirect.gather @!p0 [hbm4b:s3+s5], $0x20, s6, s5, $0xb8;
	[tilespmem:$0x19C80] =	vst v63  }
0x65: {  	s6 =	simm.s32 @!p0 $0x578;
	s24 =	simm.s32 @!p0 $0xBB80  }
0x66: {  	[tilespmem:s24], [sflag:$0x1] =	stream.indirect.gather @!p0 [hbm4b:s3+s5], $0x20, s6, s5, $0xb8;
	[tilespmem:$0x19C80] =	vst v63  }
.Ltmp2:
0x67: {  	_ = 	snop;
	(pc) =	sbr.rel @p0 .LBB2_4-.Ltmp2, $4  }
0x68: {  	_ =	swait.ge [sflag:s21], $0xC800  }
0x69: {  	[sflag:s21] =	ssyncset.done $0x0  }
0x6a: {  	[sflag:s21] =	ssyncadd.s32 $0xFFFF3800  }
0x6b: {  	[hbm4b:s8+s2] =	stream.linear.scatter [tilespmem:s26], [sflag:$0x3], $0xC800, $0x38;
	[tilespmem:$0x19C80] =	vst v63  }
0x6c: {  	s5 =	sadd.s32 s4, s7  }
.Ltmp3:
0x6d: {  	s5 =	sadd.s32 $0x258, s5;
	(pc) =	sbr.rel .LBB2_2-.Ltmp3, $4  }
0x6e: {  	[tilespmem:s25], [sflag:$0x4] =	stream.linear.gather [hbm4b:s5+s2], $0x640, $0x38;
	[tilespmem:$0x19C80] =	vst v63  }
0x6f: {  	_ =	swait.ge [sflag:s9], $0x640  }
0x70: {  	[sflag:s9] =	ssyncset.done $0x0  }
0x71: {  	s4 =	sadd.s32 $0x190, s4;
	s8 =	sadd.s32 $0x3200, s8;
	[sflag:s9] =	ssyncadd.s32 $0xFFFFF9C0  }
.LBB2_5:
0x72: {  	_ =	sfence.sel $0x180000  }
0x73: {  	[bflag:$0x0] =	sbarrier.arrive $0xFFFF  }
0x74: {  	_ =	strace $0x9000004A  }
0x75: {  	s0 =	stileid.u32;
	[bflag:$0x2] =	sbarrier.arrive $0xFFFF  }
0x76: {  	p0 =	sne.s32 s0, $0x0;
	s0 =	rddreg [dreg:$0x2]  }
0x77: {  	s0 =	sadd.s32 @!p0 $0x100000, s0  }
0x78: {  	[sflag:s0] =	ssyncadd.tile.s32 @!p0 $0x1;
	_ =	shalt  }
.Lfunc_end2:
_tile_overlayer_lowered:
.L_overlay_start_2:
0x79: {  	(tag) =	ssettag $0x2  }
0x7a: {  	s0 =	rddreg [dreg:$0x0];
	s2 =	stileid.u32  }
0x7b: {  	s1 =	rddreg [dreg:$0x1];
	p0 =	sne.s32 s2, $0x0  }
0x7c: {  	s3 =	rddreg [dreg:$0x2];
	[bflag:$0x3] =	sbarrier.arrive $0xFFFF;
	s2 =	simm.s32 @!p0 $0x1C04  }
0x7d: {  	[timem:s3], [sflag:s2] =	dma.local @!p0 [hbm:s0], s1  }
0x7e: {  	s0 =	simm.s32 @!p0 $0x4  }
0x7f: {  	_ =	swait.ge @!p0 [sflag:s0], s1  }
0x80: {  	s1 =	ssub.s32 @!p0 $0x0, s1;
	[sflag:s0] =	ssyncset.done @!p0 $0x0  }
0x81: {  	[sflag:s0] =	ssyncadd.s32 @!p0 s1  }
0x82: {  	[bflag:$0x3] =	sbarrier.arrive $0xFFFF  }
0x83: {  	_ =	shalt  }

// kernel: sparse-core-data-format-call.1.cloned.1.call-start
scs
called_computation.1_lowered:
.L_overlay_start_0:
0x0: {  	s2 =	sld [smem:$0x3FD9]  }
0x1: {  	s3 =	sld [smem:$0x3FFE];
	_ =	sdelay $0x1  }
0x2: {  	s1 =	srdreg.scid  }
0x3: {  	s0 =	sand.u32 $0x1, s1  }
0x4: {  	s18 =	sshll.u32 s0, $0xA;
	s2 =	sadd.s32 s3, s2  }
0x5: {  	s2 =	sadd.s32 s2, s18  }
0x6: {  	[smem:$0x3FC6] =	sst s2  }
0x7: {  	_ = 	snop  }
0x8: {  	(tm) =	ssettm $0x1  }
0x9: {  	s19 =	sld [smem:$0x3FFB];
	_ =	sdelay $0x3  }
0xa: {  	_ =	strace s19  }
0xb: {  	s2 =	sld [smem:$0x3FFC];
	_ =	sdelay $0x3  }
0xc: {  	_ =	strace s2  }
0xd: {  	s2 =	sld [smem:$0x3FFD];
	_ =	sdelay $0x3  }
0xe: {  	_ =	strace s2  }
0xf: {  	_ =	strace $0x8FFFFFFF  }
0x10: {  	s20 =	sld [smem:$0x3FDB];
	_ =	sdelay $0x1  }
0x11: {  	s21 =	simm.s32 $_scs_section_size  }
0x12: {  	s4 =	simm.s32 $_size__tile_overlayer_lowered;
	s5 =	simm.s32 $_tile_overlayer_lowered  }
0x13: {  	s6 =	simm.s32 $0x1BFF;
	s22 =	sshll.u32 s5, $0x1;
	s3 =	sadd.s32 s21, s20  }
0x14: {  	s23 =	simm.s32 $0x0;
	s4 =	sshll.u32 s4, $0x1;
	s5 =	sadd.s32 s22, s3  }
0x15: {  	[timem:s23], [sflag:s6] =	dma.local [hbm:s5], s4  }
0x16: {  	_ =	swait.ge [sflag:s6], s4  }
0x17: {  	s4 =	ssub.s32 $0x0, s4;
	[sflag:s6] =	ssyncset.done $0x0  }
0x18: {  	[sflag:s6] =	ssyncadd.s32 s4;
	_ =	sdelay $0x1  }
0x19: {  	s24 =	simm.s32 $0x1B8B  }
0x1a: {  	_ =	swait.ge [sflag:s24], $0x1  }
0x1b: {  	[sflag:s24] =	ssyncset.done $0x0  }
0x1c: {  	[sflag:s24] =	ssyncadd.s32 $0xFFFFFFFF  }
0x1d: {  	s4 =	sld [smem:$0x0]  }
0x1e: {  	s5 =	sand.u32 $0xFFFFFFFE, s1  }
0x1f: {  	p0 =	sne.s32 s1, s5  }
0x20: {  	s5 =	sshll.u32 @p0 s5, $0xE  }
0x21: {  	s5 =	sadd.s32 @p0 $0x11B8D, s5;
	s6 =	sshll.u32 @p0 s4, $0x11  }
0x22: {  	s5 =	sor.u32 @p0 s6, s5  }
0x23: {  	[sflag:s5] =	ssyncadd.remote.s32 @p0 $0x1;
	_ =	sdelay $0x1  }
0x24: {  	s5 =	simm.s32 @p0 $0x1B8D  }
0x25: {  	_ =	swait.eq @p0 [sflag:s5], $0x1  }
0x26: {  	[sflag:s5] =	ssyncadd.s32 @p0 $0xFFFFFFFF  }
0x27: {  	s6 =	sshll.u32 @!p0 s1, $0xE  }
0x28: {  	s6 =	sor.u32 @!p0 $0x4000, s6;
	s5 =	simm.s32 @!p0 $0x1B8D  }
0x29: {  	s4 =	sshll.u32 @!p0 s4, $0x11;
	s6 =	sadd.s32 @!p0 $0x11B8D, s6;
	_ =	swait.eq @!p0 [sflag:s5], $0x1  }
0x2a: {  	s4 =	sor.u32 @!p0 s4, s6;
	[sflag:s5] =	ssyncadd.s32 @!p0 $0xFFFFFFFF  }
0x2b: {  	s26 =	simm.s32 $0x1B8E;
	s25 =	sld [smem:$0x3FFE];
	[sflag:s4] =	ssyncadd.remote.s32 @!p0 $0x1  }
0x2c: {  	s27 =	simm.s32 $execute0_lowered;
	[smem:$0x3FD2] =	sst s26  }
0x2d: {  	s5 =	sshll.u32 s27, $0x1;
	_ =	strace $0x8000004C;
	[dreg:$0x1] =	wrdreg $0xFFFFFFFF  }
0x2e: {  	s28 =	simm.s32 $_size_execute0_lowered;
	s3 =	sadd.s32 s3, s5;
	[dreg:$0x0] =	wrdreg $0x0  }
0x2f: {  	s5 =	sshll.u32 s28, $0x1;
	[dreg:$0x2] =	wrdreg s3  }
0x30: {  	[dreg:$0x3] =	wrdreg s5  }
0x31: {  	[dreg:$0x4] =	wrdreg $0xC0  }
0x32: {  	_ =	task [dreg:s23], $0x5FFFF  }
0x33: {  	[dreg:$0x1] =	wrdreg $0xFFFFFFFF  }
0x34: {  	[dreg:$0x0] =	wrdreg $0x60  }
0x35: {  	[dreg:$0x2] =	wrdreg s25  }
0x36: {  	[dreg:$0x3] =	wrdreg $0x9  }
0x37: {  	_ =	task.clear_ibuf [dreg:s23], $0x4FFFF;
	_ =	strace $0x9000004C  }
0x38: {  	s29 =	simm.s32 $0x9;
	_ =	strace $0x8000004E  }
0x39: {  	_ =	swait.ge [sflag:s29], $0x1  }
0x3a: {  	[sflag:s29] =	ssyncadd.s32 $0xFFFFFFFF  }
0x3b: {  	_ =	strace $0x9000004E  }
0x3c: {  	_ =	sfence  }
0x3d: {  	s30 =	sld [smem:$0x0];
	_ =	sdelay $0x2  }
0x3e: {  	s31 =	sshll.u32 s1, $0xD;
	s1 =	sshrl.u32 s1, $0x2  }
0x3f: {  	s4 =	sand.u32 $0x4000, s31;
	s1 =	sadd.s32 s1, s30  }
0x40: {  	s0 =	sor.u32 s4, s0;
	s1 =	sshll.u32 s1, $0x11  }
0x41: {  	s0 =	sor.u32 s1, s0  }
0x42: {  	s0 =	sadd.s32 $0x8F2B, s0  }
0x43: {  	[sflag:s0] =	ssyncadd.remote.s32 $0x1  }
0x44: {  	_ =	sfence.sel $0xFFFF  }
0x45: {  	[dreg:$0x0] =	wrdreg $0xFFFFFFFF;
	(pc) =	sbr.abs _section_cstart, $3  }
0x46: {  	[dreg:$0x1] =	wrdreg $0xFFFFFFFF  }
0x47: {  	_ =	task.clear_ibuf [dreg:s23], $0x2FFFF;
	_ =	strace $0x9FFFFFFF  }
0x48: {  	(tm) =	ssettm $0x7FFFFFFF  }
0x49: {  	_ =	shalt  }
tec
execute0_lowered:
.L_overlay_start_1:
0x0: {  	(tag) =	ssettag $0x1  }
0x1: {  	s1 =	rddreg [dreg:$0x0]  }
0x2: {  	s0 =	rddreg [dreg:$0x1];
	_ =	strace $0x8000004D  }
0x3: {  	s4 =	srdreg.scid;
	s6 =	simm.s32 $0x2;
	s15 =	simm.s32 $0x0  }
0x4: {  	p0 =	por $0x0, $0x0;
	s14 =	simm.s32 $0x0;
	s16 =	simm.s32 $0x0  }
0x5: {  	s7 =	simm.s32 $0x0;
	s9 =	simm.s32 $0x0;
	s10 =	simm.s32 $0x0  }
.Ltmp0:
0x6: {  	s11 =	simm.s32 $0x0;
	s12 =	simm.s32 $0x0;
	(pc) =	sbr.rel .LBB1_1-.Ltmp0, $4  }
0x7: {  	s2 =	sadd.s32 $0x259600, s1;
	s3 =	sadd.s32 $0x1600, s1;
	s4 =	sshll.u32 s4, $0x4  }
0x8: {  	s1 =	stileid.u32;
	s5 =	sand.u32 $0x10, s4;
	s4 =	simm.s32 $0x1  }
0x9: {  	s8 =	simm.s32 $0x0;
	s5 =	sor.u32 s1, s5;
	[sflag:s4] =	ssyncpa.u1 $0x0  }
0xa: {  	[sflag:s6] =	ssyncpa.u1 $0x0;
	s6 =	simm.s32 $0x14000;
	s13 =	smov.u32 s5  }
.LBB1_5:
0xb: {  	p1 =	slt.u32 s8, $0x2;
	s18 =	smov.u32 s16  }
0xc: {  	p2 =	sgt.s32 @!p1 s15, $0x48;
	s17 =	sshra.s32 @!p1 s15, $0x1F;
	p3 =	sgt.s32 @!p1 s16, $0x1F  }
0xd: {  	s19 =	sshra.s32 @!p1 s16, $0x1F;
	p2 =	por !p2, p1;
	s17 =	sand.u32 @!p1 s17, s15  }
0xe: {  	p3 =	por !p3, p1;
	s16 =	sand.u32 @!p1 s19, s16;
	s19 =	sshra.s32 @!p1 s14, $0x1F  }
0xf: {  	s18 =	simm.s32 @p3 $0x1F;
	p3 =	sgt.s32 @!p1 s14, $0x980;
	s15 =	simm.s32 @p2 $0x48  }
0x10: {  	s16 =	ssub.s32 @!p1 s18, s16;
	p3 =	por !p3, p1;
	s18 =	smov.u32 s14  }
0x11: {  	s14 =	sand.u32 @!p1 s19, s14;
	s15 =	ssub.s32 @!p1 s15, s17;
	s18 =	simm.s32 @p3 $0x980  }
0x12: {  	s17 =	sadd.s32 @!p1 $0xFFFFFFE1, s16;
	s16 =	ssub.s32 @!p1 $0x20, s16;
	s14 =	ssub.s32 @!p1 s18, s14  }
0x13: {  	s18 =	sadd.s32 @!p1 $0xFFFFFFB8, s15;
	p2 =	sgt.s32 @!p1 s17, $0x0;
	s17 =	sadd.s32 @!p1 $0xFFFFF680, s14  }
0x14: {  	s15 =	ssub.s32 @!p1 $0xC8, s15;
	p2 =	por !p2, p1;
	p3 =	sgt.s32 @!p1 s17, $0x7F  }
0x15: {  	s14 =	ssub.s32 @!p1 $0xA00, s14;
	s16 =	simm.s32 @!p2 $0x0;
	p2 =	por !p3, p1  }
0x16: {  	s17 =	sadd.s32 $0x80, s11;
	p3 =	sgt.s32 @!p1 s18, $0x7F;
	s14 =	simm.s32 @!p2 $0x0  }
0x17: {  	s18 =	smov.u32 s12;
	p2 =	por !p3, p1;
	s14 =	smul.u32 @!p1 s16, s14  }
0x18: {  	s15 =	simm.s32 @!p2 $0x0;
	p2 =	sgt.s32 s17, $0xC7;
	s16 =	sadd.s32 $0x80, s12  }
0x19: {  	s19 =	smov.u32 s13;
	s18 =	smov.u32 @p2 s16  }
0x1a: {  	s14 =	smul.u32 @!p1 s15, s14;
	p3 =	sgt.s32 s18, $0x9FF;
	s15 =	sadd.s32 $0x20, s13  }
0x1b: {  	s8 =	sadd.s32 $0x1, s8;
	p0 =	por !p0, !p0;
	s19 =	smov.u32 @p3 s15  }
0x1c: {  	s20 =	simm.s32 @!p1 $0x2;
	s17 =	simm.s32 @p2 $0x0;
	p2 =	sgt.s32 s19, $0x1F  }
0x1d: {  	s16 =	smov.u32 s10;
	s19 =	smov.u32 @p2 s5;
	p2 =	sne.s32 s8, $0x2A  }
.Ltmp1:
0x1e: {  	s10 =	smov.u32 s13;
	s18 =	simm.s32 @p3 $0x0;
	(pc) =	sbr.rel @!p2 .LBB1_6-.Ltmp1, $4  }
0x1f: {  	s15 =	smov.u32 s7;
	s7 =	smov.u32 s11;
	s14 =	sand.u32 @!p1 $0x3FFFFFFF, s14  }
0x20: {  	s11 =	smov.u32 s17;
	_ =	swait.ge @!p1 [sflag:s20], s14;
	s21 =	ssub.s32 @!p1 $0x0, s14  }
0x21: {  	s14 =	smov.u32 s9;
	s9 =	smov.u32 s12;
	[sflag:s20] =	ssyncset.done @!p1 $0x0  }
0x22: {  	s12 =	smov.u32 s18;
	s13 =	smov.u32 s19;
	[sflag:s20] =	ssyncadd.s32 @!p1 s21  }
.LBB1_1:
0x23: {  	p1 =	sgt.u32 s8, $0x27  }
0x24: {  	s17 =	sshll.u32 @!p1 s12, $0x8;
	s18 =	sshll.u32 @!p1 s11, $0x3  }
0x25: {  	s19 =	sshll.u32 @!p1 s12, $0x7;
	s17 =	sand.u32 @!p1 $0xFFFFF800, s17;
	s18 =	sand.u32 @!p1 $0xFFFFFC00, s18  }
0x26: {  	s17 =	sadd.s32 @!p1 s17, s18;
	s18 =	sand.u32 @!p1 $0x300, s19  }
0x27: {  	s17 =	sor.u32 @!p1 s18, s17  }
0x28: {  	s17 =	sshrl.u32 @!p1 s17, $0x8  }
0x29: {  	s18 =	smulhi.u32 @!p1 $0xCCCCCD, s17  }
0x2a: {  	s20 =	sxor.u32 @!p1 $0xFFFFFFFF, s8  }
0x2b: {  	s21 =	sand.u32 @!p1 $0x78, s11;
	s22 =	smul.u32 @!p1 $0x14000, s13;
	s18 =	sshrl.u32 @!p1 s18, $0x3  }
0x2c: {  	s20 =	sshll.u32 @!p1 s20, $0xE;
	s19 =	sand.u32 @!p1 $0x80, s19;
	s18 =	smul.u32 @!p1 $0xA00, s18  }
0x2d: {  	s20 =	sand.u32 @!p1 $0x4000, s20;
	s19 =	sor.u32 @!p1 s21, s19;
	s21 =	sand.u32 @!p1 $0x7, s11  }
0x2e: {  	s17 =	ssub.s32 @!p1 s17, s18;
	s18 =	sshrl.u32 @!p1 s19, $0x3;
	s19 =	sadd.s32 @!p1 s2, s22  }
0x2f: {  	s17 =	sshll.u32 @!p1 s17, $0x5;
	s18 =	sadd.s32 @!p1 s18, s19;
	s19 =	sshll.u32 @!p1 s21, $0x12  }
0x30: {  	s17 =	sadd.s32 @!p1 s17, s18;
	s18 =	sor.u32 @!p1 $0x400, s19;
	s19 =	simm.s32 @!p1 $0x800  }
0x31: {  	[tilespmem:s20], [sflag:$0x1] =	stream.strided.gather @!p1 [hbm4b:s17+s18], $0x4000, s19, s18, $0x38;
	[tilespmem:$0x10100] =	vst v63  }
0x32: {  	p1 =	seq.s32 s8, $0x0  }
0x33: {  	p2 =	seq.s32 @!p1 s8, $0x29  }
0x34: {  	p1 =	por p1, p2  }
.Ltmp2:
0x35: {  	_ = 	snop;
	(pc) =	sbr.rel @p1 .LBB1_5-.Ltmp2, $1  }
0x36: {  	_ =	sdelay $0x3  }
0x37: {  	s17 =	simm.s32 $0x1  }
0x38: {  	_ =	swait.ge [sflag:s4], $0x4000;
	s17 =	simm.s32 @!p0 $0x0  }
0x39: {  	[sflag:s4] =	ssyncset.done $0x0;
	s18 =	sshll.u32 s17, $0xE  }
0x3a: {  	[sflag:s4] =	ssyncadd.s32 $0xFFFFC000;
	s18 =	sor.u32 $0x40, s18  }
0x3b: {  	s17 =	smul.u32 $0x10200, s17;
	v0 =	vld [tilespmem:s18+$0x30]  }
0x3c: {  	v1 =	vld [tilespmem:s18+$0xFFFFFFD0]  }
0x3d: {  	s17 =	sshrl.u32 s17, $0x2;
	v5 =	vld [tilespmem:s18+$0xFFFFFFE0]  }
0x3e: {  	v6 =	vld [tilespmem:s18+$0xFFFFFFF0];
	s20 =	sor.u32 $0x8000, s17  }
0x3f: {  	s31 =	sand.u32 $0x1, s8;
	v4 =	vld [tilespmem:s18+$0x0];
	s19 =	sadd.s32 $0x0, s20  }
0x40: {  	v3 =	vld [tilespmem:s18+$0x10];
	s17 =	smul.u32 $0x10200, s31;
	[tilespmem:s19+$0x3870 ss:$0x81] =	vst.msk $0xffff, v0  }
0x41: {  	v2 =	vld [tilespmem:s18+$0x20];
	[tilespmem:s19+$0x810 ss:$0x81] =	vst.msk $0xffff, v1  }
0x42: {  	s17 =	sshrl.u32 s17, $0x2;
	v1 =	vld [tilespmem:s18+$0xFFFFFFC0];
	[tilespmem:s19+$0x1020 ss:$0x81] =	vst.msk $0xffff, v5;
	s18 =	sadd.s32 $0x80, s18  }
0x43: {  	s21 =	simm.s32 $0x4;
	s22 =	simm.s32 $0x8;
	s17 =	sor.u32 $0x8000, s17;
	[tilespmem:s19+$0x1830 ss:$0x81] =	vst.msk $0xffff, v6;
	v0 =	vld [tilespmem:s18+$0x30]  }
.LBB1_3:
0x44: {  	p1 =	sne.s32 s22, $0x1FC;
	v5 =	vld [tilespmem:s18+$0xFFFFFFD0];
	[tilespmem:s19+$0x2040 ss:$0x81] =	vst.msk $0xffff, v4  }
0x45: {  	v6 =	vld [tilespmem:s18+$0xFFFFFFE0];
	[tilespmem:s19+$0x2850 ss:$0x81] =	vst.msk $0xffff, v3  }
0x46: {  	s23 =	sshra.s32 s21, $0x2;
	s21 =	smov.u32 s22;
	v7 =	vld [tilespmem:s18+$0xFFFFFFF0];
	[tilespmem:s19+$0x3060 ss:$0x81] =	vst.msk $0xffff, v2  }
.Ltmp3:
0x47: {  	v4 =	vld [tilespmem:s18+$0x0];
	[tilespmem:s19+$0x0 ss:$0x81] =	vst.msk $0xffff, v1;
	s19 =	sadd.s32 s23, s20;
	(pc) =	sbr.rel @p1 .LBB1_3-.Ltmp3, $4  }
0x48: {  	v3 =	vld [tilespmem:s18+$0x10];
	[tilespmem:s19+$0x3870 ss:$0x81] =	vst.msk $0xffff, v0  }
0x49: {  	[tilespmem:s19+$0x810 ss:$0x81] =	vst.msk $0xffff, v5;
	v2 =	vld [tilespmem:s18+$0x20]  }
0x4a: {  	v1 =	vld [tilespmem:s18+$0xFFFFFFC0];
	[tilespmem:s19+$0x1020 ss:$0x81] =	vst.msk $0xffff, v6;
	s18 =	sadd.s32 $0x80, s18  }
0x4b: {  	s22 =	sadd.s32 $0x4, s22;
	v0 =	vld [tilespmem:s18+$0x30];
	[tilespmem:s19+$0x1830 ss:$0x81] =	vst.msk $0xffff, v7  }
0x4c: {  	s22 =	sshrl.u32 s10, $0x3;
	s23 =	sshll.u32 s9, $0x3  }
0x4d: {  	s24 =	sshll.u32 s10, $0x7;
	s21 =	sshra.s32 s21, $0x2;
	s30 =	sand.u32 $0x7F, s9  }
0x4e: {  	p1 =	sgt.s32 s7, $0x48;
	s25 =	sshra.s32 s10, $0x1F;
	s26 =	sshra.s32 s7, $0x1F  }
0x4f: {  	s27 =	sshra.s32 s9, $0x1F;
	s22 =	smul.u32 $0x5000, s22;
	s23 =	sand.u32 $0xFFFFFC00, s23  }
0x50: {  	s29 =	sand.u32 $0x380, s24;
	s20 =	sadd.s32 s21, s20;
	s24 =	smov.u32 s10  }
0x51: {  	s25 =	sand.u32 s25, s10;
	s26 =	sand.u32 s26, s7;
	s22 =	sadd.s32 s22, s23  }
0x52: {  	s27 =	sand.u32 s27, s9;
	s23 =	smov.u32 s7;
	s22 =	sor.u32 s29, s22  }
0x53: {  	s23 =	simm.s32 @!p1 $0x48;
	p1 =	sgt.s32 s10, $0x1F;
	s21 =	sor.u32 s30, s22  }
0x54: {  	v5 =	vld [tilespmem:s18+$0xFFFFFFD0];
	[tilespmem:s19+$0x2040 ss:$0x81] =	vst.msk $0xffff, v4;
	s24 =	simm.s32 @!p1 $0x1F;
	p1 =	sgt.s32 s9, $0x980;
	s23 =	ssub.s32 s23, s26  }
0x55: {  	v58 =	vld [tilespmem:s18+$0xFFFFFFE0];
	[tilespmem:s19+$0x2850 ss:$0x81] =	vst.msk $0xffff, v3;
	s30 =	smulhi.u32 $0xCCCCCCCD, s22;
	s24 =	ssub.s32 s24, s25;
	s25 =	smov.u32 s9  }
0x56: {  	[tilespmem:s19+$0x3060 ss:$0x81] =	vst.msk $0xffff, v2;
	s28 =	smulhi.u32 $0xCCCCCCCD, s21;
	s26 =	sadd.s32 $0xFFFFFFB8, s23;
	s25 =	simm.s32 @!p1 $0x980  }
0x57: {  	v59 =	vld [tilespmem:s18+$0xFFFFFFF0];
	[tilespmem:s19+$0x0 ss:$0x81] =	vst.msk $0xffff, v1;
	s31 =	sadd.s32 $0xFFFFFFE1, s24;
	s22 =	ssub.s32 $0x20, s24;
	s19 =	sshrl.u32 s30, $0xB  }
0x58: {  	v60 =	vld [tilespmem:s18+$0x0];
	s25 =	ssub.s32 s25, s27;
	p1 =	sgt.s32 s31, $0x0;
	s31 =	sshrl.u32 s28, $0xB  }
0x59: {  	v61 =	vld [tilespmem:s18+$0x10];
	[tilespmem:s20+$0x3870 ss:$0x81] =	vst.msk $0xffff, v0;
	s19 =	sand.u32 $0x1F, s19;
	s27 =	smul.u32 $0x2800, s7;
	s29 =	sadd.s32 $0xFFFFF680, s25  }
0x5a: {  	v62 =	vld [tilespmem:s18+$0x20];
	[tilespmem:s20+$0x810 ss:$0x81] =	vst.msk $0xffff, v5;
	s25 =	ssub.s32 $0xA00, s25;
	s24 =	smul.u32 $0xA00, s31;
	p2 =	sgt.s32 s29, $0x7F  }
0x5b: {  	v63 =	vld [tilespmem:s18+$0xFFFFFFC0];
	[tilespmem:s20+$0x1020 ss:$0x81] =	vst.msk $0xffff, v58;
	s22 =	simm.s32 @p1 $0x0;
	s18 =	smul.u32 $0x140, s19;
	s25 =	simm.s32 @p2 $0x0  }
0x5c: {  	[tilespmem:s20+$0x1830 ss:$0x81] =	vst.msk $0xffff, v59;
	p1 =	sgt.s32 s26, $0x7F;
	s25 =	smul.u32 s22, s25;
	s22 =	ssub.s32 $0xC8, s23  }
.Ltmp4:
0x5d: {  	[tilespmem:s20+$0x2040 ss:$0x81] =	vst.msk $0xffff, v60;
	s21 =	ssub.s32 s21, s24;
	s22 =	simm.s32 @p1 $0x0;
	(pc) =	sbr.rel .LBB1_5-.Ltmp4, $4  }
0x5e: {  	[tilespmem:s20+$0x2850 ss:$0x81] =	vst.msk $0xffff, v61;
	s28 =	sadd.s32 s3, s27;
	s29 =	sand.u32 $0x7, s21;
	s19 =	smul.u32 s22, s25  }
0x5f: {  	[tilespmem:s20+$0x3060 ss:$0x81] =	vst.msk $0xffff, v62;
	s18 =	sadd.s32 s18, s28;
	s21 =	sshrl.u32 s21, $0x3;
	s30 =	sshll.u32 s29, $0x12  }
0x60: {  	[tilespmem:s20+$0x0 ss:$0x81] =	vst.msk $0xffff, v63;
	s18 =	sadd.s32 s21, s18;
	s31 =	sor.u32 $0x80, s30;
	s19 =	sand.u32 $0x3FFFFFFF, s19  }
0x61: {  	[hbm4b:s18+s31] =	stream.strided.scatter [tilespmem:s17], [sflag:$0x2], s19, s6, s31, $0x20;
	[tilespmem:$0x10100] =	vst v63  }
.LBB1_6:
0x62: {  	_ =	sfence.sel $0x180000  }
0x63: {  	s2 =	simm.s32 $0x1;
	[bflag:$0x0] =	sbarrier.arrive $0xFFFF  }
0x64: {  	s31 =	simm.s32 $0x2;
	[sflag:s2] =	ssyncpa.u1 $0x1  }
0x65: {  	[sflag:s31] =	ssyncpa.u1 $0x1  }
0x66: {  	p0 =	sne.s32 s1, $0x0;
	_ =	strace $0x9000004D  }
0x67: {  	s0 =	sadd.s32 @!p0 $0x100000, s0;
	[bflag:$0x2] =	sbarrier.arrive $0xFFFF  }
0x68: {  	[sflag:s0] =	ssyncadd.tile.s32 @!p0 $0x1;
	_ =	shalt  }
.Lfunc_end1:
_tile_overlayer_lowered:
.L_overlay_start_2:
0x69: {  	(tag) =	ssettag $0x2  }
0x6a: {  	s0 =	rddreg [dreg:$0x0];
	s2 =	stileid.u32  }
0x6b: {  	s1 =	rddreg [dreg:$0x1];
	p0 =	sne.s32 s2, $0x0  }
0x6c: {  	s3 =	rddreg [dreg:$0x2];
	[bflag:$0x3] =	sbarrier.arrive $0xFFFF;
	s2 =	simm.s32 @!p0 $0x1C01  }
0x6d: {  	[timem:s3], [sflag:s2] =	dma.local @!p0 [hbm:s0], s1  }
0x6e: {  	s0 =	simm.s32 @!p0 $0x1  }
0x6f: {  	_ =	swait.ge @!p0 [sflag:s0], s1  }
0x70: {  	s1 =	ssub.s32 @!p0 $0x0, s1;
	[sflag:s0] =	ssyncset.done @!p0 $0x0  }
0x71: {  	[sflag:s0] =	ssyncadd.s32 @!p0 s1  }
0x72: {  	[bflag:$0x3] =	sbarrier.arrive $0xFFFF  }
0x73: {  	_ =	shalt  }

// kernel: sparse-core-data-format-call.cloned.1.call-start
scs
called_computation_lowered:
.L_overlay_start_0:
0x0: {  	s2 =	sld [smem:$0x3FD9]  }
0x1: {  	s3 =	sld [smem:$0x3FFE];
	_ =	sdelay $0x1  }
0x2: {  	s1 =	srdreg.scid  }
0x3: {  	s0 =	sand.u32 $0x1, s1  }
0x4: {  	s18 =	sshll.u32 s0, $0xA;
	s2 =	sadd.s32 s3, s2  }
0x5: {  	s2 =	sadd.s32 s2, s18  }
0x6: {  	[smem:$0x3FC6] =	sst s2  }
0x7: {  	_ = 	snop  }
0x8: {  	(tm) =	ssettm $0x1  }
0x9: {  	s19 =	sld [smem:$0x3FFB];
	_ =	sdelay $0x3  }
0xa: {  	_ =	strace s19  }
0xb: {  	s2 =	sld [smem:$0x3FFC];
	_ =	sdelay $0x3  }
0xc: {  	_ =	strace s2  }
0xd: {  	s2 =	sld [smem:$0x3FFD];
	_ =	sdelay $0x3  }
0xe: {  	_ =	strace s2  }
0xf: {  	_ =	strace $0x8FFFFFFF  }
0x10: {  	s20 =	sld [smem:$0x3FDB];
	_ =	sdelay $0x1  }
0x11: {  	s21 =	simm.s32 $_scs_section_size  }
0x12: {  	s4 =	simm.s32 $_size__tile_overlayer_lowered;
	s5 =	simm.s32 $_tile_overlayer_lowered  }
0x13: {  	s6 =	simm.s32 $0x1BFF;
	s22 =	sshll.u32 s5, $0x1;
	s3 =	sadd.s32 s21, s20  }
0x14: {  	s23 =	simm.s32 $0x0;
	s4 =	sshll.u32 s4, $0x1;
	s5 =	sadd.s32 s22, s3  }
0x15: {  	[timem:s23], [sflag:s6] =	dma.local [hbm:s5], s4  }
0x16: {  	_ =	swait.ge [sflag:s6], s4  }
0x17: {  	s4 =	ssub.s32 $0x0, s4;
	[sflag:s6] =	ssyncset.done $0x0  }
0x18: {  	[sflag:s6] =	ssyncadd.s32 s4;
	_ =	sdelay $0x1  }
0x19: {  	s24 =	simm.s32 $0x1B8B  }
0x1a: {  	_ =	swait.ge [sflag:s24], $0x1  }
0x1b: {  	[sflag:s24] =	ssyncset.done $0x0  }
0x1c: {  	[sflag:s24] =	ssyncadd.s32 $0xFFFFFFFF  }
0x1d: {  	s4 =	sld [smem:$0x0]  }
0x1e: {  	s5 =	sand.u32 $0xFFFFFFFE, s1  }
0x1f: {  	p0 =	sne.s32 s1, s5  }
0x20: {  	s5 =	sshll.u32 @p0 s5, $0xE  }
0x21: {  	s5 =	sadd.s32 @p0 $0x11B8D, s5;
	s6 =	sshll.u32 @p0 s4, $0x11  }
0x22: {  	s5 =	sor.u32 @p0 s6, s5  }
0x23: {  	[sflag:s5] =	ssyncadd.remote.s32 @p0 $0x1;
	_ =	sdelay $0x1  }
0x24: {  	s5 =	simm.s32 @p0 $0x1B8D  }
0x25: {  	_ =	swait.eq @p0 [sflag:s5], $0x1  }
0x26: {  	[sflag:s5] =	ssyncadd.s32 @p0 $0xFFFFFFFF  }
0x27: {  	s6 =	sshll.u32 @!p0 s1, $0xE  }
0x28: {  	s6 =	sor.u32 @!p0 $0x4000, s6;
	s5 =	simm.s32 @!p0 $0x1B8D  }
0x29: {  	s4 =	sshll.u32 @!p0 s4, $0x11;
	s6 =	sadd.s32 @!p0 $0x11B8D, s6;
	_ =	swait.eq @!p0 [sflag:s5], $0x1  }
0x2a: {  	s4 =	sor.u32 @!p0 s4, s6;
	[sflag:s5] =	ssyncadd.s32 @!p0 $0xFFFFFFFF  }
0x2b: {  	s26 =	simm.s32 $0x1B8E;
	s25 =	sld [smem:$0x3FFE];
	[sflag:s4] =	ssyncadd.remote.s32 @!p0 $0x1  }
0x2c: {  	s27 =	simm.s32 $execute0_lowered;
	[smem:$0x3FD2] =	sst s26  }
0x2d: {  	s5 =	sshll.u32 s27, $0x1;
	_ =	strace $0x8000004F;
	[dreg:$0x1] =	wrdreg $0xFFFFFFFF  }
0x2e: {  	s28 =	simm.s32 $_size_execute0_lowered;
	s3 =	sadd.s32 s3, s5;
	[dreg:$0x0] =	wrdreg $0x0  }
0x2f: {  	s5 =	sshll.u32 s28, $0x1;
	[dreg:$0x2] =	wrdreg s3  }
0x30: {  	[dreg:$0x3] =	wrdreg s5  }
0x31: {  	[dreg:$0x4] =	wrdreg $0xC0  }
0x32: {  	_ =	task [dreg:s23], $0x5FFFF  }
0x33: {  	[dreg:$0x1] =	wrdreg $0xFFFFFFFF  }
0x34: {  	[dreg:$0x0] =	wrdreg $0x60  }
0x35: {  	[dreg:$0x2] =	wrdreg s25  }
0x36: {  	[dreg:$0x3] =	wrdreg $0xA  }
0x37: {  	_ =	task.clear_ibuf [dreg:s23], $0x4FFFF;
	_ =	strace $0x9000004F  }
0x38: {  	s29 =	simm.s32 $0xA;
	_ =	strace $0x80000051  }
0x39: {  	_ =	swait.ge [sflag:s29], $0x1  }
0x3a: {  	[sflag:s29] =	ssyncadd.s32 $0xFFFFFFFF  }
0x3b: {  	_ =	strace $0x90000051  }
0x3c: {  	_ =	sfence  }
0x3d: {  	s30 =	sld [smem:$0x0];
	_ =	sdelay $0x2  }
0x3e: {  	s31 =	sshll.u32 s1, $0xD;
	s1 =	sshrl.u32 s1, $0x2  }
0x3f: {  	s4 =	sand.u32 $0x4000, s31;
	s1 =	sadd.s32 s1, s30  }
0x40: {  	s0 =	sor.u32 s4, s0;
	s1 =	sshll.u32 s1, $0x11  }
0x41: {  	s0 =	sor.u32 s1, s0  }
0x42: {  	s0 =	sadd.s32 $0x8F2B, s0  }
0x43: {  	[sflag:s0] =	ssyncadd.remote.s32 $0x1  }
0x44: {  	_ =	sfence.sel $0xFFFF  }
0x45: {  	[dreg:$0x0] =	wrdreg $0xFFFFFFFF;
	(pc) =	sbr.abs _section_cstart, $3  }
0x46: {  	[dreg:$0x1] =	wrdreg $0xFFFFFFFF  }
0x47: {  	_ =	task.clear_ibuf [dreg:s23], $0x2FFFF;
	_ =	strace $0x9FFFFFFF  }
0x48: {  	(tm) =	ssettm $0x7FFFFFFF  }
0x49: {  	_ =	shalt  }
tec
execute0_lowered:
.L_overlay_start_1:
0x0: {  	(tag) =	ssettag $0x1  }
0x1: {  	s0 =	srdreg.scid;
	s6 =	rddreg [dreg:$0x0]  }
0x2: {  	s7 =	simm.s32 $0x2;
	s12 =	simm.s32 $0x0;
	s1 =	sshll.u32 s0, $0x4  }
0x3: {  	p0 =	por $0x0, $0x0;
	s0 =	stileid.u32;
	s1 =	sand.u32 $0x10, s1  }
0x4: {  	s8 =	simm.s32 $0x1B000;
	s13 =	simm.s32 $0x0;
	s2 =	sor.u32 s0, s1  }
.Ltmp0:
0x5: {  	s10 =	simm.s32 $0x0;
	s3 =	ssub.s32 $0xE7, s2;
	(pc) =	sbr.rel .LBB1_1-.Ltmp0, $4  }
0x6: {  	s11 =	simm.s32 $0x0;
	s1 =	rddreg [dreg:$0x1];
	s4 =	sshrl.u32 s3, $0x5  }
0x7: {  	_ =	strace $0x80000050;
	s3 =	simm.s32 $0x1;
	s4 =	smul.u32 $0x6C, s4  }
0x8: {  	s5 =	sadd.s32 $0x4D9600, s6;
	s6 =	sadd.s32 $0x2F09600, s6;
	[sflag:s3] =	ssyncpa.u1 $0x0  }
0x9: {  	s9 =	smov.u32 s2;
	[sflag:s7] =	ssyncpa.u1 $0x0;
	s7 =	sor.u32 $0x1, s4  }
.LBB1_4:
0xa: {  	s16 =	sshll.u32 s13, $0x3  }
0xb: {  	s16 =	sand.u32 $0xFFFFFC00, s16  }
0xc: {  	s17 =	sshrl.u32 s16, $0x9  }
0xd: {  	s17 =	smulhi.u32 $0x97B425F, s17;
	_ =	sdelay $0x1  }
0xe: {  	s27 =	sand.u32 $0x7F, s13;
	s18 =	smul.u32 $0x3600, s17  }
0xf: {  	s12 =	smul.u32 $0xD800, s12;
	s13 =	sor.u32 s27, s16;
	s28 =	sand.u32 $0x1F, s17  }
0x10: {  	s16 =	smul.u32 $0x6C0, s28;
	s13 =	ssub.s32 s13, s18  }
0x11: {  	s12 =	sadd.s32 s6, s12;
	s29 =	sand.u32 $0x7, s13  }
0x12: {  	s12 =	sadd.s32 s16, s12;
	s13 =	sshrl.u32 s13, $0x3;
	s30 =	sshll.u32 s29, $0x12  }
0x13: {  	[tilespmem:s15+$0x0 ss:$0x81] =	vst.msk $0xffff, v0;
	s12 =	sadd.s32 s13, s12;
	s31 =	sor.u32 $0x400, s30  }
0x14: {  	[hbm4b:s12+s31] =	stream.strided.scatter [tilespmem:s14], [sflag:$0x2], $0x1000, s8, s31, $0x20;
	[tilespmem:$0x4040] =	vst v63  }
.LBB1_5:
0x15: {  	s14 =	sadd.s32 $0x20, s9  }
0x16: {  	s12 =	sadd.s32 $0x80, s10;
	s16 =	smov.u32 s10;
	p2 =	sgt.s32 s14, $0xC7  }
0x17: {  	s16 =	smov.u32 @p2 s12  }
0x18: {  	s14 =	smov.u32 @p2 s2;
	p2 =	sgt.s32 s16, $0x35FF  }
0x19: {  	s16 =	simm.s32 @p2 $0x0;
	p2 =	sne.s32 s11, s7  }
.Ltmp1:
0x1a: {  	p1 =	slt.u32 s11, $0x2;
	(pc) =	sbr.rel @!p2 .LBB1_6-.Ltmp1, $4  }
0x1b: {  	s15 =	simm.s32 @!p1 $0x2  }
0x1c: {  	s13 =	smov.u32 s10;
	p0 =	por !p0, !p0;
	_ =	swait.ge @!p1 [sflag:s15], $0x1000  }
0x1d: {  	s12 =	smov.u32 s9;
	[sflag:s15] =	ssyncset.done @!p1 $0x0;
	s9 =	smov.u32 s14  }
0x1e: {  	s11 =	sadd.s32 $0x1, s11;
	[sflag:s15] =	ssyncadd.s32 @!p1 $0xFFFFF000;
	s10 =	smov.u32 s16  }
.LBB1_1:
0x1f: {  	p1 =	sge.u32 s11, s4  }
0x20: {  	s14 =	sand.u32 @!p1 $0x1FFFFFF, s9  }
0x21: {  	s15 =	smulhi.u32 @!p1 $0x147AE15, s14;
	_ =	sdelay $0x1  }
0x22: {  	s15 =	smul.u32 @!p1 $0xC8, s15  }
0x23: {  	s16 =	sxor.u32 @!p1 $0xFFFFFFFF, s11;
	s17 =	smul.u32 @!p1 $0xC80, s10  }
0x24: {  	s31 =	sadd.s32 $0xFFFFFFFF, s11;
	s16 =	sshll.u32 @!p1 s16, $0xC;
	s14 =	ssub.s32 @!p1 s14, s15  }
0x25: {  	s15 =	sand.u32 @!p1 $0x1000, s16;
	s16 =	sadd.s32 @!p1 s5, s17;
	s14 =	sshll.u32 @!p1 s14, $0x4  }
0x26: {  	s17 =	simm.s32 @!p1 $0x6400;
	s14 =	sadd.s32 @!p1 s14, s16;
	s16 =	simm.s32 @!p1 $0x20  }
0x27: {  	[tilespmem:s15], [sflag:$0x1] =	stream.strided.gather @!p1 [hbm4b:s14+s16], $0x1000, s17, s16, $0x38;
	[tilespmem:$0x4040] =	vst v63  }
0x28: {  	p1 =	sge.u32 s31, s4  }
.Ltmp2:
0x29: {  	_ = 	snop;
	(pc) =	sbr.rel @p1 .LBB1_5-.Ltmp2, $1  }
0x2a: {  	_ =	sdelay $0x3  }
0x2b: {  	s14 =	simm.s32 $0x1  }
0x2c: {  	_ =	swait.ge [sflag:s3], $0x1000;
	s14 =	simm.s32 @!p0 $0x0  }
0x2d: {  	[sflag:s3] =	ssyncset.done $0x0;
	s15 =	sshll.u32 s14, $0xC  }
0x2e: {  	[sflag:s3] =	ssyncadd.s32 $0xFFFFF000;
	s18 =	sor.u32 $0x10, s15  }
0x2f: {  	s14 =	smul.u32 $0x4080, s14;
	v1 =	vld [tilespmem:s18+$0x0]  }
0x30: {  	s30 =	sand.u32 $0x1, s11;
	v0 =	vld [tilespmem:s18+$0xFFFFFFF0]  }
0x31: {  	s15 =	smul.u32 $0x4080, s30;
	s14 =	sshrl.u32 s14, $0x2  }
0x32: {  	s16 =	sor.u32 $0x2000, s14  }
0x33: {  	s31 =	sshrl.u32 s15, $0x2;
	s15 =	sadd.s32 $0x0, s16  }
0x34: {  	s17 =	simm.s32 $0x4;
	s18 =	sadd.s32 $0x20, s18;
	s14 =	sor.u32 $0x2000, s31;
	[tilespmem:s15+$0x810 ss:$0x81] =	vst.msk $0xffff, v1  }
.LBB1_3:
0x35: {  	v1 =	vld [tilespmem:s18+$0x0];
	p1 =	sne.s32 s17, $0x1FC;
	[tilespmem:s15+$0x0 ss:$0x81] =	vst.msk $0xffff, v0;
	s15 =	smov.u32 s17;
	s17 =	sadd.s32 $0x4, s17  }
.Ltmp3:
0x36: {  	v0 =	vld [tilespmem:s18+$0xFFFFFFF0];
	(pc) =	sbr.rel @p1 .LBB1_3-.Ltmp3, $4  }
0x37: {  	_ = 	snop  }
0x38: {  	s15 =	sshra.s32 s15, $0x2  }
0x39: {  	s15 =	sadd.s32 s15, s16  }
0x3a: {  	s18 =	sadd.s32 $0x20, s18;
	[tilespmem:s15+$0x810 ss:$0x81] =	vst.msk $0xffff, v1  }
.Ltmp4:
0x3b: {  	_ = 	snop;
	(pc) =	sbr.rel .LBB1_4-.Ltmp4, $1  }
0x3c: {  	_ =	sdelay $0x3  }
.LBB1_6:
0x3d: {  	_ =	sfence.sel $0x180000  }
0x3e: {  	s2 =	simm.s32 $0x1;
	[bflag:$0x0] =	sbarrier.arrive $0xFFFF  }
0x3f: {  	s31 =	simm.s32 $0x2;
	[sflag:s2] =	ssyncpa.u1 $0x1  }
0x40: {  	[sflag:s31] =	ssyncpa.u1 $0x1  }
0x41: {  	p0 =	sne.s32 s0, $0x0;
	_ =	strace $0x90000050  }
0x42: {  	s0 =	sadd.s32 @!p0 $0x100000, s1;
	[bflag:$0x2] =	sbarrier.arrive $0xFFFF  }
0x43: {  	[sflag:s0] =	ssyncadd.tile.s32 @!p0 $0x1;
	_ =	shalt  }
.Lfunc_end1:
_tile_overlayer_lowered:
.L_overlay_start_2:
0x44: {  	(tag) =	ssettag $0x2  }
0x45: {  	s0 =	rddreg [dreg:$0x0];
	s2 =	stileid.u32  }
0x46: {  	s1 =	rddreg [dreg:$0x1];
	p0 =	sne.s32 s2, $0x0  }
0x47: {  	s3 =	rddreg [dreg:$0x2];
	[bflag:$0x3] =	sbarrier.arrive $0xFFFF;
	s2 =	simm.s32 @!p0 $0x1C01  }
0x48: {  	[timem:s3], [sflag:s2] =	dma.local @!p0 [hbm:s0], s1  }
0x49: {  	s0 =	simm.s32 @!p0 $0x1  }
0x4a: {  	_ =	swait.ge @!p0 [sflag:s0], s1  }
0x4b: {  	s1 =	ssub.s32 @!p0 $0x0, s1;
	[sflag:s0] =	ssyncset.done @!p0 $0x0  }
0x4c: {  	[sflag:s0] =	ssyncadd.s32 @!p0 s1  }
0x4d: {  	[bflag:$0x3] =	sbarrier.arrive $0xFFFF  }
0x4e: {  	_ =	shalt  }

</sc_bundles>
